<compile_context>
chip_gen: v7x
topology: tpu7x:2x2x1
jax: 0.10.2.dev20260603
libtpu: 0.0.44.dev20260713+nightly
codegen_flags: <defaults>
</compile_context>

<pallas_src>
import jax
import jax.numpy as jnp
from jax import lax
from jax.experimental import pallas as pl
from jax.experimental.pallas import tpu as pltpu
from jax.experimental.pallas import tpu_sc as plsc

_NC = 2
_NS = 16
_NW = _NC * _NS
_LANES = 16

_B = 16384
_L = 200
_VOCAB = 1000000

_ROWS_PER_W = _B // _NW
_GROUPS = _ROWS_PER_W // _LANES
_G_IDX = _LANES * _L
_SPLIT = 128
_NSPLIT = _G_IDX // _SPLIT


def _sc_body(idx_hbm, w_hbm, b_hbm, out_hbm, idx_v, val_v, out_v, b_v, w_sh,
             idx_sem, val_sem):
    sid = lax.axis_index("s")
    wid = sid * _NC + lax.axis_index("c")

    pltpu.sync_copy(b_hbm, b_v)
    b_vec = b_v[...]
    lane_base = lax.iota(jnp.int32, _LANES) * _L
    lane2 = 2 * lax.iota(jnp.int32, _LANES)

    def idx_copy(g, buf):
        src = pl.multiple_of((wid * _GROUPS + g) * _G_IDX, _SPLIT)
        dst = pl.multiple_of(buf * _G_IDX, _SPLIT)
        return pltpu.make_async_copy(
            idx_hbm.at[pl.ds(src, _G_IDX)],
            idx_v.at[pl.ds(dst, _G_IDX)], idx_sem)

    def val_copies(buf):
        cps = []
        for c in range(_NSPLIT):
            off = pl.multiple_of(buf * _G_IDX + c * _SPLIT, _SPLIT)
            cps.append(pltpu.make_async_copy(
                w_sh.at[idx_v.at[pl.ds(off, _SPLIT)]],
                val_v.at[pl.ds(off, _SPLIT)], val_sem))
        return cps

    idx_copy(0, 0).start()

    @pl.when(sid == 0)
    def _():
        pltpu.sync_copy(w_hbm, w_sh)
    plsc.subcore_barrier()

    idx_copy(0, 0).wait()
    for cp in val_copies(0):
        cp.start()
    idx_copy(1, 1).start()

    @pl.loop(0, _GROUPS)
    def _group(g):
        buf = g % 2
        nbuf = 1 - buf
        for cp in val_copies(buf):
            cp.wait()
        g2 = jnp.minimum(g + 2, _GROUPS - 1)
        idx_copy(g2, buf).start()
        idx_copy(g, nbuf).wait()
        for cp in val_copies(nbuf):
            cp.start()

        vbase = buf * _G_IDX + lane_base

        def red_body(j, accs):
            a0, a1 = accs
            base = vbase + j * 8
            for k in range(0, 8, 2):
                a0 = a0 + plsc.load_gather(val_v, [base + k])
                a1 = a1 + plsc.load_gather(val_v, [base + k + 1])
            return a0, a1

        acc0, acc1 = lax.fori_loop(0, _L // 8, red_body, (b_vec, b_vec * 0.0))
        x = acc0 + acc1
        pos = 1.0 / (1.0 + jnp.exp(-x))
        neg = 1.0 / (1.0 + jnp.exp(x))
        slot = g * (2 * _LANES) + lane2
        plsc.store_scatter(out_v, [slot], pos)
        plsc.store_scatter(out_v, [slot + 1], neg)

    for cp in val_copies(0):
        cp.wait()
    idx_copy(_GROUPS - 1, 1).wait()

    pltpu.sync_copy(
        out_v, out_hbm.at[pl.ds(wid * (2 * _ROWS_PER_W), 2 * _ROWS_PER_W)])


def kernel(batch, w, b):
    idx_flat = batch.reshape(-1)
    w_flat = w.reshape(-1)
    b16 = jnp.broadcast_to(b, (_LANES,)).astype(jnp.float32)

    mesh = plsc.VectorSubcoreMesh(core_axis_name="c", subcore_axis_name="s")
    out_flat = pl.kernel(
        _sc_body,
        out_type=jax.ShapeDtypeStruct((_B * 2,), jnp.float32),
        mesh=mesh,
        scratch_types=[
            pltpu.VMEM((2 * _G_IDX,), jnp.int32),
            pltpu.VMEM((2 * _G_IDX,), jnp.float32),
            pltpu.VMEM((2 * _ROWS_PER_W,), jnp.float32),
            pltpu.VMEM((_LANES,), jnp.float32),
            pltpu.VMEM_SHARED((_VOCAB,), jnp.float32),
            pltpu.SemaphoreType.DMA,
            pltpu.SemaphoreType.DMA,
        ],
        compiler_params=pltpu.CompilerParams(needs_layout_passes=False),
    )(idx_flat, w_flat, b16)
    return out_flat.reshape(_B, 2)

# --- scband reference (transcript-rebuilt; emitter-appended) ---
"""Pipeline reference for scband-mnbc-61761629716954 (READ-ONLY COPY).

The authoritative reference and input builder live on the scoring server;
editing this copy changes nothing except your own understanding.
"""

import jax, jax.numpy as jnp
import numpy as np

VOCAB = 1000000
B = 16384
L = 200

def setup_inputs(seed: int = 0) -> dict:
    key = jax.random.key(seed)
    k1, k2 = jax.random.split(key)
    batch = jax.random.randint(k1, (B, L), 0, VOCAB, dtype=jnp.int64 if jax.config.jax_enable_x64 else jnp.int32)
    w = jax.random.normal(k2, (VOCAB, 1), dtype=jnp.float32) * 0.02
    b = jnp.zeros((1,), dtype=jnp.float32)
    return {"batch": batch, "w": w, "b": b}

def reference(batch, w, b):
    dim1, dim2 = batch.shape
    # embedding lookup: w has shape [vocab, 1]
    emb_prod = jnp.take(w, batch.reshape(-1), axis=0).reshape(dim1, dim2)
    dot_prod = jnp.sum(emb_prod, axis=1)
    linear_separator = dot_prod + b
    pos = jax.nn.sigmoid(linear_separator)
    neg = jax.nn.sigmoid(-linear_separator)
    return jnp.concatenate((pos.reshape(-1, 1), neg.reshape(-1, 1)), axis=1)

if __name__ == "__main__":
    import jax
    _d = setup_inputs()
    print(jax.jit(kernel)(*tuple(_d.values())))

</pallas_src>

<mosaic_0001>
#map = affine_map<(d0, d1) -> (0)>
module attributes {stable_mosaic.version = 14 : i64} {
  func.func @_sc_body(%arg0: i32, %arg1: i32, %arg2: memref<3276800xi32, #tpu.memory_space<hbm>>, %arg3: memref<1000000xf32, #tpu.memory_space<hbm>>, %arg4: memref<16xf32, #tpu.memory_space<hbm>>, %arg5: memref<32768xf32, #tpu.memory_space<hbm>>, %arg6: memref<6400xi32, #tpu.memory_space<vmem>>, %arg7: memref<6400xf32, #tpu.memory_space<vmem>>, %arg8: memref<1024xf32, #tpu.memory_space<vmem>>, %arg9: memref<16xf32, #tpu.memory_space<vmem>>, %arg10: memref<1000000xf32, #tpu.memory_space<vmem_shared>>, %arg11: memref<!tpu.dma_semaphore, #tpu.memory_space<semaphore_mem>>, %arg12: memref<!tpu.dma_semaphore, #tpu.memory_space<semaphore_mem>>) attributes {dimension_semantics = [#tpu.dimension_semantics<core_parallel>, #tpu.dimension_semantics<subcore_parallel>], iteration_bounds = array<i64: 2, 16>, scalar_prefetch = 0 : i64, scratch_operands = 7 : i64, tpu.core_type = #tpu.core_type<sc_vector_subcore>, window_params = [{transform_indices = #map}, {transform_indices = #map}, {transform_indices = #map}, {transform_indices = #map}]} {
    %mul3A = arith.constant 2 : i32
    %mul3A_0 = arith.muli %arg1, %mul3A : i32
    %add3A = arith.addi %mul3A_0, %arg0 : i32
    "tpu.region"() ({
      %run_scoped3A = tpu.sem_alloc : memref<!tpu.dma_semaphore, #tpu.memory_space<semaphore_mem>>
      tpu.enqueue_dma source(%arg4 : memref<16xf32, #tpu.memory_space<hbm>>) target(%arg9 : memref<16xf32, #tpu.memory_space<vmem>>) target_semaphore(%run_scoped3A : memref<!tpu.dma_semaphore, #tpu.memory_space<semaphore_mem>>)
      tpu.wait_dma2 semaphore(%run_scoped3A : memref<!tpu.dma_semaphore, #tpu.memory_space<semaphore_mem>>) src(%arg4 : memref<16xf32, #tpu.memory_space<hbm>>) dst(%arg9 : memref<16xf32, #tpu.memory_space<vmem>>)
      tpu.yield
    }) : () -> ()
    %get3A = arith.constant 0 : index
    %get3A_1 = tpu.vector_load %arg9[%get3A] {strides = array<i32>} : memref<16xf32, #tpu.memory_space<vmem>>, vector<16xf32>,
    %iota3A = tpu.iota {dimensions = array<i32: 0>} : vector<16xi32>
    %mul3A_2 = arith.constant 200 : i32
    %mul3A_3 = vector.broadcast %mul3A_2 : i32 to vector<16xi32>
    %mul3A_4 = arith.muli %iota3A, %mul3A_3 : vector<16xi32>
    %iota3A_5 = tpu.iota {dimensions = array<i32: 0>} : vector<16xi32>
    %mul3A_6 = arith.constant 2 : i32
    %mul3A_7 = vector.broadcast %mul3A_6 : i32 to vector<16xi32>
    %mul3A_8 = arith.muli %mul3A_7, %iota3A_5 : vector<16xi32>
    %mul3A_9 = arith.constant 32 : i32
    %mul3A_10 = arith.muli %add3A, %mul3A_9 : i32
    %add3A_11 = arith.constant 0 : i32
    %add3A_12 = arith.addi %mul3A_10, %add3A_11 : i32
    %mul3A_13 = arith.constant 3200 : i32
    %mul3A_14 = arith.muli %add3A_12, %mul3A_13 : i32
    %multiple_of3A = tpu.assume_multiple %mul3A_14, 128 : i32
    %multiple_of3A_15 = arith.constant 0 : i32
    %multiple_of3A_16 = tpu.assume_multiple %multiple_of3A_15, 128 : i32
    %dma_start3A = tpu.memref_slice %arg6[%multiple_of3A_16] : memref<6400xi32, #tpu.memory_space<vmem>> -> memref<3200xi32, #tpu.memory_space<vmem>>
    %dma_start3A_17 = tpu.memref_slice %arg2[%multiple_of3A] : memref<3276800xi32, #tpu.memory_space<hbm>> -> memref<3200xi32, #tpu.memory_space<hbm>>
    %dma_start3A_18 = tpu.memref_slice %arg6[%multiple_of3A_16] : memref<6400xi32, #tpu.memory_space<vmem>> -> memref<3200xi32, #tpu.memory_space<vmem>>
    %dma_start3A_19 = tpu.memref_slice %arg2[%multiple_of3A] : memref<3276800xi32, #tpu.memory_space<hbm>> -> memref<3200xi32, #tpu.memory_space<hbm>>
    tpu.enqueue_dma source(%dma_start3A_19 : memref<3200xi32, #tpu.memory_space<hbm>>) target(%dma_start3A_18 : memref<3200xi32, #tpu.memory_space<vmem>>) target_semaphore(%arg11 : memref<!tpu.dma_semaphore, #tpu.memory_space<semaphore_mem>>)
    %eq3A = arith.constant 0 : i32
    %eq3A_20 = arith.cmpi eq, %arg1, %eq3A : i32
    %convert_element_type3A = arith.extui %eq3A_20 : i1 to i32
    %cond3A = arith.constant 0 : i32
    %cond3A_21 = arith.cmpi ne, %convert_element_type3A, %cond3A : i32
    scf.if %cond3A_21 {
      "tpu.region"() ({
        %run_scoped3A = tpu.sem_alloc : memref<!tpu.dma_semaphore, #tpu.memory_space<semaphore_mem>>
        tpu.enqueue_dma source(%arg3 : memref<1000000xf32, #tpu.memory_space<hbm>>) target(%arg10 : memref<1000000xf32, #tpu.memory_space<vmem_shared>>) target_semaphore(%run_scoped3A : memref<!tpu.dma_semaphore, #tpu.memory_space<semaphore_mem>>)
        tpu.wait_dma2 semaphore(%run_scoped3A : memref<!tpu.dma_semaphore, #tpu.memory_space<semaphore_mem>>) src(%arg3 : memref<1000000xf32, #tpu.memory_space<hbm>>) dst(%arg10 : memref<1000000xf32, #tpu.memory_space<vmem_shared>>)
        tpu.yield
      }) : () -> ()
    } else {
    }
    %barrier3A = arith.constant 0 : index
    tpu.barrier barrier_id(%barrier3A)
    %mul3A_22 = arith.constant 32 : i32
    %mul3A_23 = arith.muli %add3A, %mul3A_22 : i32
    %add3A_24 = arith.constant 0 : i32
    %add3A_25 = arith.addi %mul3A_23, %add3A_24 : i32
    %mul3A_26 = arith.constant 3200 : i32
    %mul3A_27 = arith.muli %add3A_25, %mul3A_26 : i32
    %multiple_of3A_28 = tpu.assume_multiple %mul3A_27, 128 : i32
    %multiple_of3A_29 = arith.constant 0 : i32
    %multiple_of3A_30 = tpu.assume_multiple %multiple_of3A_29, 128 : i32
    %dma_wait3A = tpu.memref_slice %arg6[%multiple_of3A_30] : memref<6400xi32, #tpu.memory_space<vmem>> -> memref<3200xi32, #tpu.memory_space<vmem>>
    %dma_wait3A_31 = tpu.memref_slice %arg2[%multiple_of3A_28] : memref<3276800xi32, #tpu.memory_space<hbm>> -> memref<3200xi32, #tpu.memory_space<hbm>>
    %dma_wait3A_32 = tpu.memref_slice %arg6[%multiple_of3A_30] : memref<6400xi32, #tpu.memory_space<vmem>> -> memref<3200xi32, #tpu.memory_space<vmem>>
    %dma_wait3A_33 = tpu.memref_slice %arg2[%multiple_of3A_28] : memref<3276800xi32, #tpu.memory_space<hbm>> -> memref<3200xi32, #tpu.memory_space<hbm>>
    tpu.wait_dma2 semaphore(%arg11 : memref<!tpu.dma_semaphore, #tpu.memory_space<semaphore_mem>>) src(%dma_wait3A_33 : memref<3200xi32, #tpu.memory_space<hbm>>) dst(%dma_wait3A_32 : memref<3200xi32, #tpu.memory_space<vmem>>)
    %multiple_of3A_34 = arith.constant 0 : i32
    %multiple_of3A_35 = tpu.assume_multiple %multiple_of3A_34, 128 : i32
    %multiple_of3A_36 = arith.constant 128 : i32
    %multiple_of3A_37 = tpu.assume_multiple %multiple_of3A_36, 128 : i32
    %multiple_of3A_38 = arith.constant 256 : i32
    %multiple_of3A_39 = tpu.assume_multiple %multiple_of3A_38, 128 : i32
    %multiple_of3A_40 = arith.constant 384 : i32
    %multiple_of3A_41 = tpu.assume_multiple %multiple_of3A_40, 128 : i32
    %multiple_of3A_42 = arith.constant 512 : i32
    %multiple_of3A_43 = tpu.assume_multiple %multiple_of3A_42, 128 : i32
    %multiple_of3A_44 = arith.constant 640 : i32
    %multiple_of3A_45 = tpu.assume_multiple %multiple_of3A_44, 128 : i32
    %multiple_of3A_46 = arith.constant 768 : i32
    %multiple_of3A_47 = tpu.assume_multiple %multiple_of3A_46, 128 : i32
    %multiple_of3A_48 = arith.constant 896 : i32
    %multiple_of3A_49 = tpu.assume_multiple %multiple_of3A_48, 128 : i32
    %multiple_of3A_50 = arith.constant 1024 : i32
    %multiple_of3A_51 = tpu.assume_multiple %multiple_of3A_50, 128 : i32
    %multiple_of3A_52 = arith.constant 1152 : i32
    %multiple_of3A_53 = tpu.assume_multiple %multiple_of3A_52, 128 : i32
    %multiple_of3A_54 = arith.constant 1280 : i32
    %multiple_of3A_55 = tpu.assume_multiple %multiple_of3A_54, 128 : i32
    %multiple_of3A_56 = arith.constant 1408 : i32
    %multiple_of3A_57 = tpu.assume_multiple %multiple_of3A_56, 128 : i32
    %multiple_of3A_58 = arith.constant 1536 : i32
    %multiple_of3A_59 = tpu.assume_multiple %multiple_of3A_58, 128 : i32
    %multiple_of3A_60 = arith.constant 1664 : i32
    %multiple_of3A_61 = tpu.assume_multiple %multiple_of3A_60, 128 : i32
    %multiple_of3A_62 = arith.constant 1792 : i32
    %multiple_of3A_63 = tpu.assume_multiple %multiple_of3A_62, 128 : i32
    %multiple_of3A_64 = arith.constant 1920 : i32
    %multiple_of3A_65 = tpu.assume_multiple %multiple_of3A_64, 128 : i32
    %multiple_of3A_66 = arith.constant 2048 : i32
    %multiple_of3A_67 = tpu.assume_multiple %multiple_of3A_66, 128 : i32
    %multiple_of3A_68 = arith.constant 2176 : i32
    %multiple_of3A_69 = tpu.assume_multiple %multiple_of3A_68, 128 : i32
    %multiple_of3A_70 = arith.constant 2304 : i32
    %multiple_of3A_71 = tpu.assume_multiple %multiple_of3A_70, 128 : i32
    %multiple_of3A_72 = arith.constant 2432 : i32
    %multiple_of3A_73 = tpu.assume_multiple %multiple_of3A_72, 128 : i32
    %multiple_of3A_74 = arith.constant 2560 : i32
    %multiple_of3A_75 = tpu.assume_multiple %multiple_of3A_74, 128 : i32
    %multiple_of3A_76 = arith.constant 2688 : i32
    %multiple_of3A_77 = tpu.assume_multiple %multiple_of3A_76, 128 : i32
    %multiple_of3A_78 = arith.constant 2816 : i32
    %multiple_of3A_79 = tpu.assume_multiple %multiple_of3A_78, 128 : i32
    %multiple_of3A_80 = arith.constant 2944 : i32
    %multiple_of3A_81 = tpu.assume_multiple %multiple_of3A_80, 128 : i32
    %multiple_of3A_82 = arith.constant 3072 : i32
    %multiple_of3A_83 = tpu.assume_multiple %multiple_of3A_82, 128 : i32
    %dma_start3A_84 = tpu.memref_slice %arg7[%multiple_of3A_35] : memref<6400xf32, #tpu.memory_space<vmem>> -> memref<128xf32, #tpu.memory_space<vmem>>
    %dma_start3A_85 = tpu.memref_slice %arg6[%multiple_of3A_35] : memref<6400xi32, #tpu.memory_space<vmem>> -> memref<128xi32, #tpu.memory_space<vmem>>
    %dma_start3A_86 = arith.constant 0 : i32
    %dma_start3A_87 = tpu.memref_slice %arg10[%dma_start3A_86] : memref<1000000xf32, #tpu.memory_space<vmem_shared>> -> memref<1000000xf32, #tpu.memory_space<vmem_shared>>
    tpu.enqueue_indirect_dma source(%dma_start3A_87 : memref<1000000xf32, #tpu.memory_space<vmem_shared>>) target(%dma_start3A_84 : memref<128xf32, #tpu.memory_space<vmem>>) offsets(%dma_start3A_85 : memref<128xi32, #tpu.memory_space<vmem>>) semaphore(%arg12 : memref<!tpu.dma_semaphore, #tpu.memory_space<semaphore_mem>>)
    %dma_start3A_88 = tpu.memref_slice %arg7[%multiple_of3A_37] : memref<6400xf32, #tpu.memory_space<vmem>> -> memref<128xf32, #tpu.memory_space<vmem>>
    %dma_start3A_89 = tpu.memref_slice %arg6[%multiple_of3A_37] : memref<6400xi32, #tpu.memory_space<vmem>> -> memref<128xi32, #tpu.memory_space<vmem>>
    %dma_start3A_90 = arith.constant 0 : i32
    %dma_start3A_91 = tpu.memref_slice %arg10[%dma_start3A_90] : memref<1000000xf32, #tpu.memory_space<vmem_shared>> -> memref<1000000xf32, #tpu.memory_space<vmem_shared>>
    tpu.enqueue_indirect_dma source(%dma_start3A_91 : memref<1000000xf32, #tpu.memory_space<vmem_shared>>) target(%dma_start3A_88 : memref<128xf32, #tpu.memory_space<vmem>>) offsets(%dma_start3A_89 : memref<128xi32, #tpu.memory_space<vmem>>) semaphore(%arg12 : memref<!tpu.dma_semaphore, #tpu.memory_space<semaphore_mem>>)
    %dma_start3A_92 = tpu.memref_slice %arg7[%multiple_of3A_39] : memref<6400xf32, #tpu.memory_space<vmem>> -> memref<128xf32, #tpu.memory_space<vmem>>
    %dma_start3A_93 = tpu.memref_slice %arg6[%multiple_of3A_39] : memref<6400xi32, #tpu.memory_space<vmem>> -> memref<128xi32, #tpu.memory_space<vmem>>
    %dma_start3A_94 = arith.constant 0 : i32
    %dma_start3A_95 = tpu.memref_slice %arg10[%dma_start3A_94] : memref<1000000xf32, #tpu.memory_space<vmem_shared>> -> memref<1000000xf32, #tpu.memory_space<vmem_shared>>
    tpu.enqueue_indirect_dma source(%dma_start3A_95 : memref<1000000xf32, #tpu.memory_space<vmem_shared>>) target(%dma_start3A_92 : memref<128xf32, #tpu.memory_space<vmem>>) offsets(%dma_start3A_93 : memref<128xi32, #tpu.memory_space<vmem>>) semaphore(%arg12 : memref<!tpu.dma_semaphore, #tpu.memory_space<semaphore_mem>>)
    %dma_start3A_96 = tpu.memref_slice %arg7[%multiple_of3A_41] : memref<6400xf32, #tpu.memory_space<vmem>> -> memref<128xf32, #tpu.memory_space<vmem>>
    %dma_start3A_97 = tpu.memref_slice %arg6[%multiple_of3A_41] : memref<6400xi32, #tpu.memory_space<vmem>> -> memref<128xi32, #tpu.memory_space<vmem>>
    %dma_start3A_98 = arith.constant 0 : i32
    %dma_start3A_99 = tpu.memref_slice %arg10[%dma_start3A_98] : memref<1000000xf32, #tpu.memory_space<vmem_shared>> -> memref<1000000xf32, #tpu.memory_space<vmem_shared>>
    tpu.enqueue_indirect_dma source(%dma_start3A_99 : memref<1000000xf32, #tpu.memory_space<vmem_shared>>) target(%dma_start3A_96 : memref<128xf32, #tpu.memory_space<vmem>>) offsets(%dma_start3A_97 : memref<128xi32, #tpu.memory_space<vmem>>) semaphore(%arg12 : memref<!tpu.dma_semaphore, #tpu.memory_space<semaphore_mem>>)
    %dma_start3A_100 = tpu.memref_slice %arg7[%multiple_of3A_43] : memref<6400xf32, #tpu.memory_space<vmem>> -> memref<128xf32, #tpu.memory_space<vmem>>
    %dma_start3A_101 = tpu.memref_slice %arg6[%multiple_of3A_43] : memref<6400xi32, #tpu.memory_space<vmem>> -> memref<128xi32, #tpu.memory_space<vmem>>
    %dma_start3A_102 = arith.constant 0 : i32
    %dma_start3A_103 = tpu.memref_slice %arg10[%dma_start3A_102] : memref<1000000xf32, #tpu.memory_space<vmem_shared>> -> memref<1000000xf32, #tpu.memory_space<vmem_shared>>
    tpu.enqueue_indirect_dma source(%dma_start3A_103 : memref<1000000xf32, #tpu.memory_space<vmem_shared>>) target(%dma_start3A_100 : memref<128xf32, #tpu.memory_space<vmem>>) offsets(%dma_start3A_101 : memref<128xi32, #tpu.memory_space<vmem>>) semaphore(%arg12 : memref<!tpu.dma_semaphore, #tpu.memory_space<semaphore_mem>>)
    %dma_start3A_104 = tpu.memref_slice %arg7[%multiple_of3A_45] : memref<6400xf32, #tpu.memory_space<vmem>> -> memref<128xf32, #tpu.memory_space<vmem>>
    %dma_start3A_105 = tpu.memref_slice %arg6[%multiple_of3A_45] : memref<6400xi32, #tpu.memory_space<vmem>> -> memref<128xi32, #tpu.memory_space<vmem>>
    %dma_start3A_106 = arith.constant 0 : i32
    %dma_start3A_107 = tpu.memref_slice %arg10[%dma_start3A_106] : memref<1000000xf32, #tpu.memory_space<vmem_shared>> -> memref<1000000xf32, #tpu.memory_space<vmem_shared>>
    tpu.enqueue_indirect_dma source(%dma_start3A_107 : memref<1000000xf32, #tpu.memory_space<vmem_shared>>) target(%dma_start3A_104 : memref<128xf32, #tpu.memory_space<vmem>>) offsets(%dma_start3A_105 : memref<128xi32, #tpu.memory_space<vmem>>) semaphore(%arg12 : memref<!tpu.dma_semaphore, #tpu.memory_space<semaphore_mem>>)
    %dma_start3A_108 = tpu.memref_slice %arg7[%multiple_of3A_47] : memref<6400xf32, #tpu.memory_space<vmem>> -> memref<128xf32, #tpu.memory_space<vmem>>
    %dma_start3A_109 = tpu.memref_slice %arg6[%multiple_of3A_47] : memref<6400xi32, #tpu.memory_space<vmem>> -> memref<128xi32, #tpu.memory_space<vmem>>
    %dma_start3A_110 = arith.constant 0 : i32
    %dma_start3A_111 = tpu.memref_slice %arg10[%dma_start3A_110] : memref<1000000xf32, #tpu.memory_space<vmem_shared>> -> memref<1000000xf32, #tpu.memory_space<vmem_shared>>
    tpu.enqueue_indirect_dma source(%dma_start3A_111 : memref<1000000xf32, #tpu.memory_space<vmem_shared>>) target(%dma_start3A_108 : memref<128xf32, #tpu.memory_space<vmem>>) offsets(%dma_start3A_109 : memref<128xi32, #tpu.memory_space<vmem>>) semaphore(%arg12 : memref<!tpu.dma_semaphore, #tpu.memory_space<semaphore_mem>>)
    %dma_start3A_112 = tpu.memref_slice %arg7[%multiple_of3A_49] : memref<6400xf32, #tpu.memory_space<vmem>> -> memref<128xf32, #tpu.memory_space<vmem>>
    %dma_start3A_113 = tpu.memref_slice %arg6[%multiple_of3A_49] : memref<6400xi32, #tpu.memory_space<vmem>> -> memref<128xi32, #tpu.memory_space<vmem>>
    %dma_start3A_114 = arith.constant 0 : i32
    %dma_start3A_115 = tpu.memref_slice %arg10[%dma_start3A_114] : memref<1000000xf32, #tpu.memory_space<vmem_shared>> -> memref<1000000xf32, #tpu.memory_space<vmem_shared>>
    tpu.enqueue_indirect_dma source(%dma_start3A_115 : memref<1000000xf32, #tpu.memory_space<vmem_shared>>) target(%dma_start3A_112 : memref<128xf32, #tpu.memory_space<vmem>>) offsets(%dma_start3A_113 : memref<128xi32, #tpu.memory_space<vmem>>) semaphore(%arg12 : memref<!tpu.dma_semaphore, #tpu.memory_space<semaphore_mem>>)
    %dma_start3A_116 = tpu.memref_slice %arg7[%multiple_of3A_51] : memref<6400xf32, #tpu.memory_space<vmem>> -> memref<128xf32, #tpu.memory_space<vmem>>
    %dma_start3A_117 = tpu.memref_slice %arg6[%multiple_of3A_51] : memref<6400xi32, #tpu.memory_space<vmem>> -> memref<128xi32, #tpu.memory_space<vmem>>
    %dma_start3A_118 = arith.constant 0 : i32
    %dma_start3A_119 = tpu.memref_slice %arg10[%dma_start3A_118] : memref<1000000xf32, #tpu.memory_space<vmem_shared>> -> memref<1000000xf32, #tpu.memory_space<vmem_shared>>
    tpu.enqueue_indirect_dma source(%dma_start3A_119 : memref<1000000xf32, #tpu.memory_space<vmem_shared>>) target(%dma_start3A_116 : memref<128xf32, #tpu.memory_space<vmem>>) offsets(%dma_start3A_117 : memref<128xi32, #tpu.memory_space<vmem>>) semaphore(%arg12 : memref<!tpu.dma_semaphore, #tpu.memory_space<semaphore_mem>>)
    %dma_start3A_120 = tpu.memref_slice %arg7[%multiple_of3A_53] : memref<6400xf32, #tpu.memory_space<vmem>> -> memref<128xf32, #tpu.memory_space<vmem>>
    %dma_start3A_121 = tpu.memref_slice %arg6[%multiple_of3A_53] : memref<6400xi32, #tpu.memory_space<vmem>> -> memref<128xi32, #tpu.memory_space<vmem>>
    %dma_start3A_122 = arith.constant 0 : i32
    %dma_start3A_123 = tpu.memref_slice %arg10[%dma_start3A_122] : memref<1000000xf32, #tpu.memory_space<vmem_shared>> -> memref<1000000xf32, #tpu.memory_space<vmem_shared>>
    tpu.enqueue_indirect_dma source(%dma_start3A_123 : memref<1000000xf32, #tpu.memory_space<vmem_shared>>) target(%dma_start3A_120 : memref<128xf32, #tpu.memory_space<vmem>>) offsets(%dma_start3A_121 : memref<128xi32, #tpu.memory_space<vmem>>) semaphore(%arg12 : memref<!tpu.dma_semaphore, #tpu.memory_space<semaphore_mem>>)
    %dma_start3A_124 = tpu.memref_slice %arg7[%multiple_of3A_55] : memref<6400xf32, #tpu.memory_space<vmem>> -> memref<128xf32, #tpu.memory_space<vmem>>
    %dma_start3A_125 = tpu.memref_slice %arg6[%multiple_of3A_55] : memref<6400xi32, #tpu.memory_space<vmem>> -> memref<128xi32, #tpu.memory_space<vmem>>
    %dma_start3A_126 = arith.constant 0 : i32
    %dma_start3A_127 = tpu.memref_slice %arg10[%dma_start3A_126] : memref<1000000xf32, #tpu.memory_space<vmem_shared>> -> memref<1000000xf32, #tpu.memory_space<vmem_shared>>
    tpu.enqueue_indirect_dma source(%dma_start3A_127 : memref<1000000xf32, #tpu.memory_space<vmem_shared>>) target(%dma_start3A_124 : memref<128xf32, #tpu.memory_space<vmem>>) offsets(%dma_start3A_125 : memref<128xi32, #tpu.memory_space<vmem>>) semaphore(%arg12 : memref<!tpu.dma_semaphore, #tpu.memory_space<semaphore_mem>>)
    %dma_start3A_128 = tpu.memref_slice %arg7[%multiple_of3A_57] : memref<6400xf32, #tpu.memory_space<vmem>> -> memref<128xf32, #tpu.memory_space<vmem>>
    %dma_start3A_129 = tpu.memref_slice %arg6[%multiple_of3A_57] : memref<6400xi32, #tpu.memory_space<vmem>> -> memref<128xi32, #tpu.memory_space<vmem>>
    %dma_start3A_130 = arith.constant 0 : i32
    %dma_start3A_131 = tpu.memref_slice %arg10[%dma_start3A_130] : memref<1000000xf32, #tpu.memory_space<vmem_shared>> -> memref<1000000xf32, #tpu.memory_space<vmem_shared>>
    tpu.enqueue_indirect_dma source(%dma_start3A_131 : memref<1000000xf32, #tpu.memory_space<vmem_shared>>) target(%dma_start3A_128 : memref<128xf32, #tpu.memory_space<vmem>>) offsets(%dma_start3A_129 : memref<128xi32, #tpu.memory_space<vmem>>) semaphore(%arg12 : memref<!tpu.dma_semaphore, #tpu.memory_space<semaphore_mem>>)
    %dma_start3A_132 = tpu.memref_slice %arg7[%multiple_of3A_59] : memref<6400xf32, #tpu.memory_space<vmem>> -> memref<128xf32, #tpu.memory_space<vmem>>
    %dma_start3A_133 = tpu.memref_slice %arg6[%multiple_of3A_59] : memref<6400xi32, #tpu.memory_space<vmem>> -> memref<128xi32, #tpu.memory_space<vmem>>
    %dma_start3A_134 = arith.constant 0 : i32
    %dma_start3A_135 = tpu.memref_slice %arg10[%dma_start3A_134] : memref<1000000xf32, #tpu.memory_space<vmem_shared>> -> memref<1000000xf32, #tpu.memory_space<vmem_shared>>
    tpu.enqueue_indirect_dma source(%dma_start3A_135 : memref<1000000xf32, #tpu.memory_space<vmem_shared>>) target(%dma_start3A_132 : memref<128xf32, #tpu.memory_space<vmem>>) offsets(%dma_start3A_133 : memref<128xi32, #tpu.memory_space<vmem>>) semaphore(%arg12 : memref<!tpu.dma_semaphore, #tpu.memory_space<semaphore_mem>>)
    %dma_start3A_136 = tpu.memref_slice %arg7[%multiple_of3A_61] : memref<6400xf32, #tpu.memory_space<vmem>> -> memref<128xf32, #tpu.memory_space<vmem>>
    %dma_start3A_137 = tpu.memref_slice %arg6[%multiple_of3A_61] : memref<6400xi32, #tpu.memory_space<vmem>> -> memref<128xi32, #tpu.memory_space<vmem>>
    %dma_start3A_138 = arith.constant 0 : i32
    %dma_start3A_139 = tpu.memref_slice %arg10[%dma_start3A_138] : memref<1000000xf32, #tpu.memory_space<vmem_shared>> -> memref<1000000xf32, #tpu.memory_space<vmem_shared>>
    tpu.enqueue_indirect_dma source(%dma_start3A_139 : memref<1000000xf32, #tpu.memory_space<vmem_shared>>) target(%dma_start3A_136 : memref<128xf32, #tpu.memory_space<vmem>>) offsets(%dma_start3A_137 : memref<128xi32, #tpu.memory_space<vmem>>) semaphore(%arg12 : memref<!tpu.dma_semaphore, #tpu.memory_space<semaphore_mem>>)
    %dma_start3A_140 = tpu.memref_slice %arg7[%multiple_of3A_63] : memref<6400xf32, #tpu.memory_space<vmem>> -> memref<128xf32, #tpu.memory_space<vmem>>
    %dma_start3A_141 = tpu.memref_slice %arg6[%multiple_of3A_63] : memref<6400xi32, #tpu.memory_space<vmem>> -> memref<128xi32, #tpu.memory_space<vmem>>
    %dma_start3A_142 = arith.constant 0 : i32
    %dma_start3A_143 = tpu.memref_slice %arg10[%dma_start3A_142] : memref<1000000xf32, #tpu.memory_space<vmem_shared>> -> memref<1000000xf32, #tpu.memory_space<vmem_shared>>
    tpu.enqueue_indirect_dma source(%dma_start3A_143 : memref<1000000xf32, #tpu.memory_space<vmem_shared>>) target(%dma_start3A_140 : memref<128xf32, #tpu.memory_space<vmem>>) offsets(%dma_start3A_141 : memref<128xi32, #tpu.memory_space<vmem>>) semaphore(%arg12 : memref<!tpu.dma_semaphore, #tpu.memory_space<semaphore_mem>>)
    %dma_start3A_144 = tpu.memref_slice %arg7[%multiple_of3A_65] : memref<6400xf32, #tpu.memory_space<vmem>> -> memref<128xf32, #tpu.memory_space<vmem>>
    %dma_start3A_145 = tpu.memref_slice %arg6[%multiple_of3A_65] : memref<6400xi32, #tpu.memory_space<vmem>> -> memref<128xi32, #tpu.memory_space<vmem>>
    %dma_start3A_146 = arith.constant 0 : i32
    %dma_start3A_147 = tpu.memref_slice %arg10[%dma_start3A_146] : memref<1000000xf32, #tpu.memory_space<vmem_shared>> -> memref<1000000xf32, #tpu.memory_space<vmem_shared>>
    tpu.enqueue_indirect_dma source(%dma_start3A_147 : memref<1000000xf32, #tpu.memory_space<vmem_shared>>) target(%dma_start3A_144 : memref<128xf32, #tpu.memory_space<vmem>>) offsets(%dma_start3A_145 : memref<128xi32, #tpu.memory_space<vmem>>) semaphore(%arg12 : memref<!tpu.dma_semaphore, #tpu.memory_space<semaphore_mem>>)
    %dma_start3A_148 = tpu.memref_slice %arg7[%multiple_of3A_67] : memref<6400xf32, #tpu.memory_space<vmem>> -> memref<128xf32, #tpu.memory_space<vmem>>
    %dma_start3A_149 = tpu.memref_slice %arg6[%multiple_of3A_67] : memref<6400xi32, #tpu.memory_space<vmem>> -> memref<128xi32, #tpu.memory_space<vmem>>
    %dma_start3A_150 = arith.constant 0 : i32
    %dma_start3A_151 = tpu.memref_slice %arg10[%dma_start3A_150] : memref<1000000xf32, #tpu.memory_space<vmem_shared>> -> memref<1000000xf32, #tpu.memory_space<vmem_shared>>
    tpu.enqueue_indirect_dma source(%dma_start3A_151 : memref<1000000xf32, #tpu.memory_space<vmem_shared>>) target(%dma_start3A_148 : memref<128xf32, #tpu.memory_space<vmem>>) offsets(%dma_start3A_149 : memref<128xi32, #tpu.memory_space<vmem>>) semaphore(%arg12 : memref<!tpu.dma_semaphore, #tpu.memory_space<semaphore_mem>>)
    %dma_start3A_152 = tpu.memref_slice %arg7[%multiple_of3A_69] : memref<6400xf32, #tpu.memory_space<vmem>> -> memref<128xf32, #tpu.memory_space<vmem>>
    %dma_start3A_153 = tpu.memref_slice %arg6[%multiple_of3A_69] : memref<6400xi32, #tpu.memory_space<vmem>> -> memref<128xi32, #tpu.memory_space<vmem>>
    %dma_start3A_154 = arith.constant 0 : i32
    %dma_start3A_155 = tpu.memref_slice %arg10[%dma_start3A_154] : memref<1000000xf32, #tpu.memory_space<vmem_shared>> -> memref<1000000xf32, #tpu.memory_space<vmem_shared>>
    tpu.enqueue_indirect_dma source(%dma_start3A_155 : memref<1000000xf32, #tpu.memory_space<vmem_shared>>) target(%dma_start3A_152 : memref<128xf32, #tpu.memory_space<vmem>>) offsets(%dma_start3A_153 : memref<128xi32, #tpu.memory_space<vmem>>) semaphore(%arg12 : memref<!tpu.dma_semaphore, #tpu.memory_space<semaphore_mem>>)
    %dma_start3A_156 = tpu.memref_slice %arg7[%multiple_of3A_71] : memref<6400xf32, #tpu.memory_space<vmem>> -> memref<128xf32, #tpu.memory_space<vmem>>
    %dma_start3A_157 = tpu.memref_slice %arg6[%multiple_of3A_71] : memref<6400xi32, #tpu.memory_space<vmem>> -> memref<128xi32, #tpu.memory_space<vmem>>
    %dma_start3A_158 = arith.constant 0 : i32
    %dma_start3A_159 = tpu.memref_slice %arg10[%dma_start3A_158] : memref<1000000xf32, #tpu.memory_space<vmem_shared>> -> memref<1000000xf32, #tpu.memory_space<vmem_shared>>
    tpu.enqueue_indirect_dma source(%dma_start3A_159 : memref<1000000xf32, #tpu.memory_space<vmem_shared>>) target(%dma_start3A_156 : memref<128xf32, #tpu.memory_space<vmem>>) offsets(%dma_start3A_157 : memref<128xi32, #tpu.memory_space<vmem>>) semaphore(%arg12 : memref<!tpu.dma_semaphore, #tpu.memory_space<semaphore_mem>>)
    %dma_start3A_160 = tpu.memref_slice %arg7[%multiple_of3A_73] : memref<6400xf32, #tpu.memory_space<vmem>> -> memref<128xf32, #tpu.memory_space<vmem>>
    %dma_start3A_161 = tpu.memref_slice %arg6[%multiple_of3A_73] : memref<6400xi32, #tpu.memory_space<vmem>> -> memref<128xi32, #tpu.memory_space<vmem>>
    %dma_start3A_162 = arith.constant 0 : i32
    %dma_start3A_163 = tpu.memref_slice %arg10[%dma_start3A_162] : memref<1000000xf32, #tpu.memory_space<vmem_shared>> -> memref<1000000xf32, #tpu.memory_space<vmem_shared>>
    tpu.enqueue_indirect_dma source(%dma_start3A_163 : memref<1000000xf32, #tpu.memory_space<vmem_shared>>) target(%dma_start3A_160 : memref<128xf32, #tpu.memory_space<vmem>>) offsets(%dma_start3A_161 : memref<128xi32, #tpu.memory_space<vmem>>) semaphore(%arg12 : memref<!tpu.dma_semaphore, #tpu.memory_space<semaphore_mem>>)
    %dma_start3A_164 = tpu.memref_slice %arg7[%multiple_of3A_75] : memref<6400xf32, #tpu.memory_space<vmem>> -> memref<128xf32, #tpu.memory_space<vmem>>
    %dma_start3A_165 = tpu.memref_slice %arg6[%multiple_of3A_75] : memref<6400xi32, #tpu.memory_space<vmem>> -> memref<128xi32, #tpu.memory_space<vmem>>
    %dma_start3A_166 = arith.constant 0 : i32
    %dma_start3A_167 = tpu.memref_slice %arg10[%dma_start3A_166] : memref<1000000xf32, #tpu.memory_space<vmem_shared>> -> memref<1000000xf32, #tpu.memory_space<vmem_shared>>
    tpu.enqueue_indirect_dma source(%dma_start3A_167 : memref<1000000xf32, #tpu.memory_space<vmem_shared>>) target(%dma_start3A_164 : memref<128xf32, #tpu.memory_space<vmem>>) offsets(%dma_start3A_165 : memref<128xi32, #tpu.memory_space<vmem>>) semaphore(%arg12 : memref<!tpu.dma_semaphore, #tpu.memory_space<semaphore_mem>>)
    %dma_start3A_168 = tpu.memref_slice %arg7[%multiple_of3A_77] : memref<6400xf32, #tpu.memory_space<vmem>> -> memref<128xf32, #tpu.memory_space<vmem>>
    %dma_start3A_169 = tpu.memref_slice %arg6[%multiple_of3A_77] : memref<6400xi32, #tpu.memory_space<vmem>> -> memref<128xi32, #tpu.memory_space<vmem>>
    %dma_start3A_170 = arith.constant 0 : i32
    %dma_start3A_171 = tpu.memref_slice %arg10[%dma_start3A_170] : memref<1000000xf32, #tpu.memory_space<vmem_shared>> -> memref<1000000xf32, #tpu.memory_space<vmem_shared>>
    tpu.enqueue_indirect_dma source(%dma_start3A_171 : memref<1000000xf32, #tpu.memory_space<vmem_shared>>) target(%dma_start3A_168 : memref<128xf32, #tpu.memory_space<vmem>>) offsets(%dma_start3A_169 : memref<128xi32, #tpu.memory_space<vmem>>) semaphore(%arg12 : memref<!tpu.dma_semaphore, #tpu.memory_space<semaphore_mem>>)
    %dma_start3A_172 = tpu.memref_slice %arg7[%multiple_of3A_79] : memref<6400xf32, #tpu.memory_space<vmem>> -> memref<128xf32, #tpu.memory_space<vmem>>
    %dma_start3A_173 = tpu.memref_slice %arg6[%multiple_of3A_79] : memref<6400xi32, #tpu.memory_space<vmem>> -> memref<128xi32, #tpu.memory_space<vmem>>
    %dma_start3A_174 = arith.constant 0 : i32
    %dma_start3A_175 = tpu.memref_slice %arg10[%dma_start3A_174] : memref<1000000xf32, #tpu.memory_space<vmem_shared>> -> memref<1000000xf32, #tpu.memory_space<vmem_shared>>
    tpu.enqueue_indirect_dma source(%dma_start3A_175 : memref<1000000xf32, #tpu.memory_space<vmem_shared>>) target(%dma_start3A_172 : memref<128xf32, #tpu.memory_space<vmem>>) offsets(%dma_start3A_173 : memref<128xi32, #tpu.memory_space<vmem>>) semaphore(%arg12 : memref<!tpu.dma_semaphore, #tpu.memory_space<semaphore_mem>>)
    %dma_start3A_176 = tpu.memref_slice %arg7[%multiple_of3A_81] : memref<6400xf32, #tpu.memory_space<vmem>> -> memref<128xf32, #tpu.memory_space<vmem>>
    %dma_start3A_177 = tpu.memref_slice %arg6[%multiple_of3A_81] : memref<6400xi32, #tpu.memory_space<vmem>> -> memref<128xi32, #tpu.memory_space<vmem>>
    %dma_start3A_178 = arith.constant 0 : i32
    %dma_start3A_179 = tpu.memref_slice %arg10[%dma_start3A_178] : memref<1000000xf32, #tpu.memory_space<vmem_shared>> -> memref<1000000xf32, #tpu.memory_space<vmem_shared>>
    tpu.enqueue_indirect_dma source(%dma_start3A_179 : memref<1000000xf32, #tpu.memory_space<vmem_shared>>) target(%dma_start3A_176 : memref<128xf32, #tpu.memory_space<vmem>>) offsets(%dma_start3A_177 : memref<128xi32, #tpu.memory_space<vmem>>) semaphore(%arg12 : memref<!tpu.dma_semaphore, #tpu.memory_space<semaphore_mem>>)
    %dma_start3A_180 = tpu.memref_slice %arg7[%multiple_of3A_83] : memref<6400xf32, #tpu.memory_space<vmem>> -> memref<128xf32, #tpu.memory_space<vmem>>
    %dma_start3A_181 = tpu.memref_slice %arg6[%multiple_of3A_83] : memref<6400xi32, #tpu.memory_space<vmem>> -> memref<128xi32, #tpu.memory_space<vmem>>
    %dma_start3A_182 = arith.constant 0 : i32
    %dma_start3A_183 = tpu.memref_slice %arg10[%dma_start3A_182] : memref<1000000xf32, #tpu.memory_space<vmem_shared>> -> memref<1000000xf32, #tpu.memory_space<vmem_shared>>
    tpu.enqueue_indirect_dma source(%dma_start3A_183 : memref<1000000xf32, #tpu.memory_space<vmem_shared>>) target(%dma_start3A_180 : memref<128xf32, #tpu.memory_space<vmem>>) offsets(%dma_start3A_181 : memref<128xi32, #tpu.memory_space<vmem>>) semaphore(%arg12 : memref<!tpu.dma_semaphore, #tpu.memory_space<semaphore_mem>>)
    %mul3A_184 = arith.constant 32 : i32
    %mul3A_185 = arith.muli %add3A, %mul3A_184 : i32
    %add3A_186 = arith.constant 1 : i32
    %add3A_187 = arith.addi %mul3A_185, %add3A_186 : i32
    %mul3A_188 = arith.constant 3200 : i32
    %mul3A_189 = arith.muli %add3A_187, %mul3A_188 : i32
    %multiple_of3A_190 = tpu.assume_multiple %mul3A_189, 128 : i32
    %multiple_of3A_191 = arith.constant 3200 : i32
    %multiple_of3A_192 = tpu.assume_multiple %multiple_of3A_191, 128 : i32
    %dma_start3A_193 = tpu.memref_slice %arg6[%multiple_of3A_192] : memref<6400xi32, #tpu.memory_space<vmem>> -> memref<3200xi32, #tpu.memory_space<vmem>>
    %dma_start3A_194 = tpu.memref_slice %arg2[%multiple_of3A_190] : memref<3276800xi32, #tpu.memory_space<hbm>> -> memref<3200xi32, #tpu.memory_space<hbm>>
    %dma_start3A_195 = tpu.memref_slice %arg6[%multiple_of3A_192] : memref<6400xi32, #tpu.memory_space<vmem>> -> memref<3200xi32, #tpu.memory_space<vmem>>
    %dma_start3A_196 = tpu.memref_slice %arg2[%multiple_of3A_190] : memref<3276800xi32, #tpu.memory_space<hbm>> -> memref<3200xi32, #tpu.memory_space<hbm>>
    tpu.enqueue_dma source(%dma_start3A_196 : memref<3200xi32, #tpu.memory_space<hbm>>) target(%dma_start3A_195 : memref<3200xi32, #tpu.memory_space<vmem>>) target_semaphore(%arg11 : memref<!tpu.dma_semaphore, #tpu.memory_space<semaphore_mem>>)
    %scan3A = arith.constant 0 : i32
    %scan3A_197 = arith.constant 32 : i32
    %scan3A_198 = arith.addi %scan3A, %scan3A_197 : i32
    %scan3A_199 = arith.constant 1 : i32
    scf.for %scan3A_366 = %scan3A to %scan3A_198 step %scan3A_199  : i32 {
      %mul3A_367 = arith.constant 1 : i32
      %mul3A_368 = arith.muli %scan3A_366, %mul3A_367 : i32
      %add3A_369 = arith.constant 0 : i32
      %add3A_370 = arith.addi %add3A_369, %mul3A_368 : i32
      %jit3A = arith.constant 2 : i32
      %eq3A_371 = arith.constant 0 : i32
      %eq3A_372 = arith.cmpi eq, %jit3A, %eq3A_371 : i32
      %jit3A_373 = arith.constant 1 : i32
      %select_n3A = arith.select %eq3A_372, %jit3A_373, %jit3A : i32
      %rem3A = arith.remsi %add3A_370, %select_n3A : i32
      %ne3A = arith.constant 0 : i32
      %ne3A_374 = arith.cmpi ne, %rem3A, %ne3A : i32
      %lt3A = arith.constant 0 : i32
      %lt3A_375 = arith.cmpi slt, %rem3A, %lt3A : i32
      %lt3A_376 = arith.constant 0 : i32
      %lt3A_377 = arith.cmpi slt, %select_n3A, %lt3A_376 : i32
      %ne3A_378 = arith.xori %lt3A_375, %lt3A_377 : i1
      %and3A = arith.andi %ne3A_378, %ne3A_374 : i1
      %add3A_379 = arith.addi %rem3A, %select_n3A : i32
      %select_n3A_380 = arith.select %and3A, %add3A_379, %rem3A : i32
      %sub3A = arith.constant 1 : i32
      %sub3A_381 = arith.subi %sub3A, %select_n3A_380 : i32
      %mul3A_382 = arith.constant 3200 : i32
      %mul3A_383 = arith.muli %select_n3A_380, %mul3A_382 : i32
      %add3A_384 = arith.constant 0 : i32
      %add3A_385 = arith.addi %mul3A_383, %add3A_384 : i32
      %multiple_of3A_386 = tpu.assume_multiple %add3A_385, 128 : i32
      %mul3A_387 = arith.constant 3200 : i32
      %mul3A_388 = arith.muli %select_n3A_380, %mul3A_387 : i32
      %add3A_389 = arith.constant 128 : i32
      %add3A_390 = arith.addi %mul3A_388, %add3A_389 : i32
      %multiple_of3A_391 = tpu.assume_multiple %add3A_390, 128 : i32
      %mul3A_392 = arith.constant 3200 : i32
      %mul3A_393 = arith.muli %select_n3A_380, %mul3A_392 : i32
      %add3A_394 = arith.constant 256 : i32
      %add3A_395 = arith.addi %mul3A_393, %add3A_394 : i32
      %multiple_of3A_396 = tpu.assume_multiple %add3A_395, 128 : i32
      %mul3A_397 = arith.constant 3200 : i32
      %mul3A_398 = arith.muli %select_n3A_380, %mul3A_397 : i32
      %add3A_399 = arith.constant 384 : i32
      %add3A_400 = arith.addi %mul3A_398, %add3A_399 : i32
      %multiple_of3A_401 = tpu.assume_multiple %add3A_400, 128 : i32
      %mul3A_402 = arith.constant 3200 : i32
      %mul3A_403 = arith.muli %select_n3A_380, %mul3A_402 : i32
      %add3A_404 = arith.constant 512 : i32
      %add3A_405 = arith.addi %mul3A_403, %add3A_404 : i32
      %multiple_of3A_406 = tpu.assume_multiple %add3A_405, 128 : i32
      %mul3A_407 = arith.constant 3200 : i32
      %mul3A_408 = arith.muli %select_n3A_380, %mul3A_407 : i32
      %add3A_409 = arith.constant 640 : i32
      %add3A_410 = arith.addi %mul3A_408, %add3A_409 : i32
      %multiple_of3A_411 = tpu.assume_multiple %add3A_410, 128 : i32
      %mul3A_412 = arith.constant 3200 : i32
      %mul3A_413 = arith.muli %select_n3A_380, %mul3A_412 : i32
      %add3A_414 = arith.constant 768 : i32
      %add3A_415 = arith.addi %mul3A_413, %add3A_414 : i32
      %multiple_of3A_416 = tpu.assume_multiple %add3A_415, 128 : i32
      %mul3A_417 = arith.constant 3200 : i32
      %mul3A_418 = arith.muli %select_n3A_380, %mul3A_417 : i32
      %add3A_419 = arith.constant 896 : i32
      %add3A_420 = arith.addi %mul3A_418, %add3A_419 : i32
      %multiple_of3A_421 = tpu.assume_multiple %add3A_420, 128 : i32
      %mul3A_422 = arith.constant 3200 : i32
      %mul3A_423 = arith.muli %select_n3A_380, %mul3A_422 : i32
      %add3A_424 = arith.constant 1024 : i32
      %add3A_425 = arith.addi %mul3A_423, %add3A_424 : i32
      %multiple_of3A_426 = tpu.assume_multiple %add3A_425, 128 : i32
      %mul3A_427 = arith.constant 3200 : i32
      %mul3A_428 = arith.muli %select_n3A_380, %mul3A_427 : i32
      %add3A_429 = arith.constant 1152 : i32
      %add3A_430 = arith.addi %mul3A_428, %add3A_429 : i32
      %multiple_of3A_431 = tpu.assume_multiple %add3A_430, 128 : i32
      %mul3A_432 = arith.constant 3200 : i32
      %mul3A_433 = arith.muli %select_n3A_380, %mul3A_432 : i32
      %add3A_434 = arith.constant 1280 : i32
      %add3A_435 = arith.addi %mul3A_433, %add3A_434 : i32
      %multiple_of3A_436 = tpu.assume_multiple %add3A_435, 128 : i32
      %mul3A_437 = arith.constant 3200 : i32
      %mul3A_438 = arith.muli %select_n3A_380, %mul3A_437 : i32
      %add3A_439 = arith.constant 1408 : i32
      %add3A_440 = arith.addi %mul3A_438, %add3A_439 : i32
      %multiple_of3A_441 = tpu.assume_multiple %add3A_440, 128 : i32
      %mul3A_442 = arith.constant 3200 : i32
      %mul3A_443 = arith.muli %select_n3A_380, %mul3A_442 : i32
      %add3A_444 = arith.constant 1536 : i32
      %add3A_445 = arith.addi %mul3A_443, %add3A_444 : i32
      %multiple_of3A_446 = tpu.assume_multiple %add3A_445, 128 : i32
      %mul3A_447 = arith.constant 3200 : i32
      %mul3A_448 = arith.muli %select_n3A_380, %mul3A_447 : i32
      %add3A_449 = arith.constant 1664 : i32
      %add3A_450 = arith.addi %mul3A_448, %add3A_449 : i32
      %multiple_of3A_451 = tpu.assume_multiple %add3A_450, 128 : i32
      %mul3A_452 = arith.constant 3200 : i32
      %mul3A_453 = arith.muli %select_n3A_380, %mul3A_452 : i32
      %add3A_454 = arith.constant 1792 : i32
      %add3A_455 = arith.addi %mul3A_453, %add3A_454 : i32
      %multiple_of3A_456 = tpu.assume_multiple %add3A_455, 128 : i32
      %mul3A_457 = arith.constant 3200 : i32
      %mul3A_458 = arith.muli %select_n3A_380, %mul3A_457 : i32
      %add3A_459 = arith.constant 1920 : i32
      %add3A_460 = arith.addi %mul3A_458, %add3A_459 : i32
      %multiple_of3A_461 = tpu.assume_multiple %add3A_460, 128 : i32
      %mul3A_462 = arith.constant 3200 : i32
      %mul3A_463 = arith.muli %select_n3A_380, %mul3A_462 : i32
      %add3A_464 = arith.constant 2048 : i32
      %add3A_465 = arith.addi %mul3A_463, %add3A_464 : i32
      %multiple_of3A_466 = tpu.assume_multiple %add3A_465, 128 : i32
      %mul3A_467 = arith.constant 3200 : i32
      %mul3A_468 = arith.muli %select_n3A_380, %mul3A_467 : i32
      %add3A_469 = arith.constant 2176 : i32
      %add3A_470 = arith.addi %mul3A_468, %add3A_469 : i32
      %multiple_of3A_471 = tpu.assume_multiple %add3A_470, 128 : i32
      %mul3A_472 = arith.constant 3200 : i32
      %mul3A_473 = arith.muli %select_n3A_380, %mul3A_472 : i32
      %add3A_474 = arith.constant 2304 : i32
      %add3A_475 = arith.addi %mul3A_473, %add3A_474 : i32
      %multiple_of3A_476 = tpu.assume_multiple %add3A_475, 128 : i32
      %mul3A_477 = arith.constant 3200 : i32
      %mul3A_478 = arith.muli %select_n3A_380, %mul3A_477 : i32
      %add3A_479 = arith.constant 2432 : i32
      %add3A_480 = arith.addi %mul3A_478, %add3A_479 : i32
      %multiple_of3A_481 = tpu.assume_multiple %add3A_480, 128 : i32
      %mul3A_482 = arith.constant 3200 : i32
      %mul3A_483 = arith.muli %select_n3A_380, %mul3A_482 : i32
      %add3A_484 = arith.constant 2560 : i32
      %add3A_485 = arith.addi %mul3A_483, %add3A_484 : i32
      %multiple_of3A_486 = tpu.assume_multiple %add3A_485, 128 : i32
      %mul3A_487 = arith.constant 3200 : i32
      %mul3A_488 = arith.muli %select_n3A_380, %mul3A_487 : i32
      %add3A_489 = arith.constant 2688 : i32
      %add3A_490 = arith.addi %mul3A_488, %add3A_489 : i32
      %multiple_of3A_491 = tpu.assume_multiple %add3A_490, 128 : i32
      %mul3A_492 = arith.constant 3200 : i32
      %mul3A_493 = arith.muli %select_n3A_380, %mul3A_492 : i32
      %add3A_494 = arith.constant 2816 : i32
      %add3A_495 = arith.addi %mul3A_493, %add3A_494 : i32
      %multiple_of3A_496 = tpu.assume_multiple %add3A_495, 128 : i32
      %mul3A_497 = arith.constant 3200 : i32
      %mul3A_498 = arith.muli %select_n3A_380, %mul3A_497 : i32
      %add3A_499 = arith.constant 2944 : i32
      %add3A_500 = arith.addi %mul3A_498, %add3A_499 : i32
      %multiple_of3A_501 = tpu.assume_multiple %add3A_500, 128 : i32
      %mul3A_502 = arith.constant 3200 : i32
      %mul3A_503 = arith.muli %select_n3A_380, %mul3A_502 : i32
      %add3A_504 = arith.constant 3072 : i32
      %add3A_505 = arith.addi %mul3A_503, %add3A_504 : i32
      %multiple_of3A_506 = tpu.assume_multiple %add3A_505, 128 : i32
      %dma_wait3A_507 = tpu.memref_slice %arg7[%multiple_of3A_386] : memref<6400xf32, #tpu.memory_space<vmem>> -> memref<128xf32, #tpu.memory_space<vmem>>
      %dma_wait3A_508 = tpu.memref_slice %arg6[%multiple_of3A_386] : memref<6400xi32, #tpu.memory_space<vmem>> -> memref<128xi32, #tpu.memory_space<vmem>>
      %dma_wait3A_509 = arith.constant 0 : i32
      %dma_wait3A_510 = tpu.memref_slice %arg10[%dma_wait3A_509] : memref<1000000xf32, #tpu.memory_space<vmem_shared>> -> memref<1000000xf32, #tpu.memory_space<vmem_shared>>
      tpu.wait_indirect_dma semaphore(%arg12 : memref<!tpu.dma_semaphore, #tpu.memory_space<semaphore_mem>>) src(%dma_wait3A_510 : memref<1000000xf32, #tpu.memory_space<vmem_shared>>) dst(%dma_wait3A_507 : memref<128xf32, #tpu.memory_space<vmem>>)
      %dma_wait3A_511 = tpu.memref_slice %arg7[%multiple_of3A_391] : memref<6400xf32, #tpu.memory_space<vmem>> -> memref<128xf32, #tpu.memory_space<vmem>>
      %dma_wait3A_512 = tpu.memref_slice %arg6[%multiple_of3A_391] : memref<6400xi32, #tpu.memory_space<vmem>> -> memref<128xi32, #tpu.memory_space<vmem>>
      %dma_wait3A_513 = arith.constant 0 : i32
      %dma_wait3A_514 = tpu.memref_slice %arg10[%dma_wait3A_513] : memref<1000000xf32, #tpu.memory_space<vmem_shared>> -> memref<1000000xf32, #tpu.memory_space<vmem_shared>>
      tpu.wait_indirect_dma semaphore(%arg12 : memref<!tpu.dma_semaphore, #tpu.memory_space<semaphore_mem>>) src(%dma_wait3A_514 : memref<1000000xf32, #tpu.memory_space<vmem_shared>>) dst(%dma_wait3A_511 : memref<128xf32, #tpu.memory_space<vmem>>)
      %dma_wait3A_515 = tpu.memref_slice %arg7[%multiple_of3A_396] : memref<6400xf32, #tpu.memory_space<vmem>> -> memref<128xf32, #tpu.memory_space<vmem>>
      %dma_wait3A_516 = tpu.memref_slice %arg6[%multiple_of3A_396] : memref<6400xi32, #tpu.memory_space<vmem>> -> memref<128xi32, #tpu.memory_space<vmem>>
      %dma_wait3A_517 = arith.constant 0 : i32
      %dma_wait3A_518 = tpu.memref_slice %arg10[%dma_wait3A_517] : memref<1000000xf32, #tpu.memory_space<vmem_shared>> -> memref<1000000xf32, #tpu.memory_space<vmem_shared>>
      tpu.wait_indirect_dma semaphore(%arg12 : memref<!tpu.dma_semaphore, #tpu.memory_space<semaphore_mem>>) src(%dma_wait3A_518 : memref<1000000xf32, #tpu.memory_space<vmem_shared>>) dst(%dma_wait3A_515 : memref<128xf32, #tpu.memory_space<vmem>>)
      %dma_wait3A_519 = tpu.memref_slice %arg7[%multiple_of3A_401] : memref<6400xf32, #tpu.memory_space<vmem>> -> memref<128xf32, #tpu.memory_space<vmem>>
      %dma_wait3A_520 = tpu.memref_slice %arg6[%multiple_of3A_401] : memref<6400xi32, #tpu.memory_space<vmem>> -> memref<128xi32, #tpu.memory_space<vmem>>
      %dma_wait3A_521 = arith.constant 0 : i32
      %dma_wait3A_522 = tpu.memref_slice %arg10[%dma_wait3A_521] : memref<1000000xf32, #tpu.memory_space<vmem_shared>> -> memref<1000000xf32, #tpu.memory_space<vmem_shared>>
      tpu.wait_indirect_dma semaphore(%arg12 : memref<!tpu.dma_semaphore, #tpu.memory_space<semaphore_mem>>) src(%dma_wait3A_522 : memref<1000000xf32, #tpu.memory_space<vmem_shared>>) dst(%dma_wait3A_519 : memref<128xf32, #tpu.memory_space<vmem>>)
      %dma_wait3A_523 = tpu.memref_slice %arg7[%multiple_of3A_406] : memref<6400xf32, #tpu.memory_space<vmem>> -> memref<128xf32, #tpu.memory_space<vmem>>
      %dma_wait3A_524 = tpu.memref_slice %arg6[%multiple_of3A_406] : memref<6400xi32, #tpu.memory_space<vmem>> -> memref<128xi32, #tpu.memory_space<vmem>>
      %dma_wait3A_525 = arith.constant 0 : i32
      %dma_wait3A_526 = tpu.memref_slice %arg10[%dma_wait3A_525] : memref<1000000xf32, #tpu.memory_space<vmem_shared>> -> memref<1000000xf32, #tpu.memory_space<vmem_shared>>
      tpu.wait_indirect_dma semaphore(%arg12 : memref<!tpu.dma_semaphore, #tpu.memory_space<semaphore_mem>>) src(%dma_wait3A_526 : memref<1000000xf32, #tpu.memory_space<vmem_shared>>) dst(%dma_wait3A_523 : memref<128xf32, #tpu.memory_space<vmem>>)
      %dma_wait3A_527 = tpu.memref_slice %arg7[%multiple_of3A_411] : memref<6400xf32, #tpu.memory_space<vmem>> -> memref<128xf32, #tpu.memory_space<vmem>>
      %dma_wait3A_528 = tpu.memref_slice %arg6[%multiple_of3A_411] : memref<6400xi32, #tpu.memory_space<vmem>> -> memref<128xi32, #tpu.memory_space<vmem>>
      %dma_wait3A_529 = arith.constant 0 : i32
      %dma_wait3A_530 = tpu.memref_slice %arg10[%dma_wait3A_529] : memref<1000000xf32, #tpu.memory_space<vmem_shared>> -> memref<1000000xf32, #tpu.memory_space<vmem_shared>>
      tpu.wait_indirect_dma semaphore(%arg12 : memref<!tpu.dma_semaphore, #tpu.memory_space<semaphore_mem>>) src(%dma_wait3A_530 : memref<1000000xf32, #tpu.memory_space<vmem_shared>>) dst(%dma_wait3A_527 : memref<128xf32, #tpu.memory_space<vmem>>)
      %dma_wait3A_531 = tpu.memref_slice %arg7[%multiple_of3A_416] : memref<6400xf32, #tpu.memory_space<vmem>> -> memref<128xf32, #tpu.memory_space<vmem>>
      %dma_wait3A_532 = tpu.memref_slice %arg6[%multiple_of3A_416] : memref<6400xi32, #tpu.memory_space<vmem>> -> memref<128xi32, #tpu.memory_space<vmem>>
      %dma_wait3A_533 = arith.constant 0 : i32
      %dma_wait3A_534 = tpu.memref_slice %arg10[%dma_wait3A_533] : memref<1000000xf32, #tpu.memory_space<vmem_shared>> -> memref<1000000xf32, #tpu.memory_space<vmem_shared>>
      tpu.wait_indirect_dma semaphore(%arg12 : memref<!tpu.dma_semaphore, #tpu.memory_space<semaphore_mem>>) src(%dma_wait3A_534 : memref<1000000xf32, #tpu.memory_space<vmem_shared>>) dst(%dma_wait3A_531 : memref<128xf32, #tpu.memory_space<vmem>>)
      %dma_wait3A_535 = tpu.memref_slice %arg7[%multiple_of3A_421] : memref<6400xf32, #tpu.memory_space<vmem>> -> memref<128xf32, #tpu.memory_space<vmem>>
      %dma_wait3A_536 = tpu.memref_slice %arg6[%multiple_of3A_421] : memref<6400xi32, #tpu.memory_space<vmem>> -> memref<128xi32, #tpu.memory_space<vmem>>
      %dma_wait3A_537 = arith.constant 0 : i32
      %dma_wait3A_538 = tpu.memref_slice %arg10[%dma_wait3A_537] : memref<1000000xf32, #tpu.memory_space<vmem_shared>> -> memref<1000000xf32, #tpu.memory_space<vmem_shared>>
      tpu.wait_indirect_dma semaphore(%arg12 : memref<!tpu.dma_semaphore, #tpu.memory_space<semaphore_mem>>) src(%dma_wait3A_538 : memref<1000000xf32, #tpu.memory_space<vmem_shared>>) dst(%dma_wait3A_535 : memref<128xf32, #tpu.memory_space<vmem>>)
      %dma_wait3A_539 = tpu.memref_slice %arg7[%multiple_of3A_426] : memref<6400xf32, #tpu.memory_space<vmem>> -> memref<128xf32, #tpu.memory_space<vmem>>
      %dma_wait3A_540 = tpu.memref_slice %arg6[%multiple_of3A_426] : memref<6400xi32, #tpu.memory_space<vmem>> -> memref<128xi32, #tpu.memory_space<vmem>>
      %dma_wait3A_541 = arith.constant 0 : i32
      %dma_wait3A_542 = tpu.memref_slice %arg10[%dma_wait3A_541] : memref<1000000xf32, #tpu.memory_space<vmem_shared>> -> memref<1000000xf32, #tpu.memory_space<vmem_shared>>
      tpu.wait_indirect_dma semaphore(%arg12 : memref<!tpu.dma_semaphore, #tpu.memory_space<semaphore_mem>>) src(%dma_wait3A_542 : memref<1000000xf32, #tpu.memory_space<vmem_shared>>) dst(%dma_wait3A_539 : memref<128xf32, #tpu.memory_space<vmem>>)
      %dma_wait3A_543 = tpu.memref_slice %arg7[%multiple_of3A_431] : memref<6400xf32, #tpu.memory_space<vmem>> -> memref<128xf32, #tpu.memory_space<vmem>>
      %dma_wait3A_544 = tpu.memref_slice %arg6[%multiple_of3A_431] : memref<6400xi32, #tpu.memory_space<vmem>> -> memref<128xi32, #tpu.memory_space<vmem>>
      %dma_wait3A_545 = arith.constant 0 : i32
      %dma_wait3A_546 = tpu.memref_slice %arg10[%dma_wait3A_545] : memref<1000000xf32, #tpu.memory_space<vmem_shared>> -> memref<1000000xf32, #tpu.memory_space<vmem_shared>>
      tpu.wait_indirect_dma semaphore(%arg12 : memref<!tpu.dma_semaphore, #tpu.memory_space<semaphore_mem>>) src(%dma_wait3A_546 : memref<1000000xf32, #tpu.memory_space<vmem_shared>>) dst(%dma_wait3A_543 : memref<128xf32, #tpu.memory_space<vmem>>)
      %dma_wait3A_547 = tpu.memref_slice %arg7[%multiple_of3A_436] : memref<6400xf32, #tpu.memory_space<vmem>> -> memref<128xf32, #tpu.memory_space<vmem>>
      %dma_wait3A_548 = tpu.memref_slice %arg6[%multiple_of3A_436] : memref<6400xi32, #tpu.memory_space<vmem>> -> memref<128xi32, #tpu.memory_space<vmem>>
      %dma_wait3A_549 = arith.constant 0 : i32
      %dma_wait3A_550 = tpu.memref_slice %arg10[%dma_wait3A_549] : memref<1000000xf32, #tpu.memory_space<vmem_shared>> -> memref<1000000xf32, #tpu.memory_space<vmem_shared>>
      tpu.wait_indirect_dma semaphore(%arg12 : memref<!tpu.dma_semaphore, #tpu.memory_space<semaphore_mem>>) src(%dma_wait3A_550 : memref<1000000xf32, #tpu.memory_space<vmem_shared>>) dst(%dma_wait3A_547 : memref<128xf32, #tpu.memory_space<vmem>>)
      %dma_wait3A_551 = tpu.memref_slice %arg7[%multiple_of3A_441] : memref<6400xf32, #tpu.memory_space<vmem>> -> memref<128xf32, #tpu.memory_space<vmem>>
      %dma_wait3A_552 = tpu.memref_slice %arg6[%multiple_of3A_441] : memref<6400xi32, #tpu.memory_space<vmem>> -> memref<128xi32, #tpu.memory_space<vmem>>
      %dma_wait3A_553 = arith.constant 0 : i32
      %dma_wait3A_554 = tpu.memref_slice %arg10[%dma_wait3A_553] : memref<1000000xf32, #tpu.memory_space<vmem_shared>> -> memref<1000000xf32, #tpu.memory_space<vmem_shared>>
      tpu.wait_indirect_dma semaphore(%arg12 : memref<!tpu.dma_semaphore, #tpu.memory_space<semaphore_mem>>) src(%dma_wait3A_554 : memref<1000000xf32, #tpu.memory_space<vmem_shared>>) dst(%dma_wait3A_551 : memref<128xf32, #tpu.memory_space<vmem>>)
      %dma_wait3A_555 = tpu.memref_slice %arg7[%multiple_of3A_446] : memref<6400xf32, #tpu.memory_space<vmem>> -> memref<128xf32, #tpu.memory_space<vmem>>
      %dma_wait3A_556 = tpu.memref_slice %arg6[%multiple_of3A_446] : memref<6400xi32, #tpu.memory_space<vmem>> -> memref<128xi32, #tpu.memory_space<vmem>>
      %dma_wait3A_557 = arith.constant 0 : i32
      %dma_wait3A_558 = tpu.memref_slice %arg10[%dma_wait3A_557] : memref<1000000xf32, #tpu.memory_space<vmem_shared>> -> memref<1000000xf32, #tpu.memory_space<vmem_shared>>
      tpu.wait_indirect_dma semaphore(%arg12 : memref<!tpu.dma_semaphore, #tpu.memory_space<semaphore_mem>>) src(%dma_wait3A_558 : memref<1000000xf32, #tpu.memory_space<vmem_shared>>) dst(%dma_wait3A_555 : memref<128xf32, #tpu.memory_space<vmem>>)
      %dma_wait3A_559 = tpu.memref_slice %arg7[%multiple_of3A_451] : memref<6400xf32, #tpu.memory_space<vmem>> -> memref<128xf32, #tpu.memory_space<vmem>>
      %dma_wait3A_560 = tpu.memref_slice %arg6[%multiple_of3A_451] : memref<6400xi32, #tpu.memory_space<vmem>> -> memref<128xi32, #tpu.memory_space<vmem>>
      %dma_wait3A_561 = arith.constant 0 : i32
      %dma_wait3A_562 = tpu.memref_slice %arg10[%dma_wait3A_561] : memref<1000000xf32, #tpu.memory_space<vmem_shared>> -> memref<1000000xf32, #tpu.memory_space<vmem_shared>>
      tpu.wait_indirect_dma semaphore(%arg12 : memref<!tpu.dma_semaphore, #tpu.memory_space<semaphore_mem>>) src(%dma_wait3A_562 : memref<1000000xf32, #tpu.memory_space<vmem_shared>>) dst(%dma_wait3A_559 : memref<128xf32, #tpu.memory_space<vmem>>)
      %dma_wait3A_563 = tpu.memref_slice %arg7[%multiple_of3A_456] : memref<6400xf32, #tpu.memory_space<vmem>> -> memref<128xf32, #tpu.memory_space<vmem>>
      %dma_wait3A_564 = tpu.memref_slice %arg6[%multiple_of3A_456] : memref<6400xi32, #tpu.memory_space<vmem>> -> memref<128xi32, #tpu.memory_space<vmem>>
      %dma_wait3A_565 = arith.constant 0 : i32
      %dma_wait3A_566 = tpu.memref_slice %arg10[%dma_wait3A_565] : memref<1000000xf32, #tpu.memory_space<vmem_shared>> -> memref<1000000xf32, #tpu.memory_space<vmem_shared>>
      tpu.wait_indirect_dma semaphore(%arg12 : memref<!tpu.dma_semaphore, #tpu.memory_space<semaphore_mem>>) src(%dma_wait3A_566 : memref<1000000xf32, #tpu.memory_space<vmem_shared>>) dst(%dma_wait3A_563 : memref<128xf32, #tpu.memory_space<vmem>>)
      %dma_wait3A_567 = tpu.memref_slice %arg7[%multiple_of3A_461] : memref<6400xf32, #tpu.memory_space<vmem>> -> memref<128xf32, #tpu.memory_space<vmem>>
      %dma_wait3A_568 = tpu.memref_slice %arg6[%multiple_of3A_461] : memref<6400xi32, #tpu.memory_space<vmem>> -> memref<128xi32, #tpu.memory_space<vmem>>
      %dma_wait3A_569 = arith.constant 0 : i32
      %dma_wait3A_570 = tpu.memref_slice %arg10[%dma_wait3A_569] : memref<1000000xf32, #tpu.memory_space<vmem_shared>> -> memref<1000000xf32, #tpu.memory_space<vmem_shared>>
      tpu.wait_indirect_dma semaphore(%arg12 : memref<!tpu.dma_semaphore, #tpu.memory_space<semaphore_mem>>) src(%dma_wait3A_570 : memref<1000000xf32, #tpu.memory_space<vmem_shared>>) dst(%dma_wait3A_567 : memref<128xf32, #tpu.memory_space<vmem>>)
      %dma_wait3A_571 = tpu.memref_slice %arg7[%multiple_of3A_466] : memref<6400xf32, #tpu.memory_space<vmem>> -> memref<128xf32, #tpu.memory_space<vmem>>
      %dma_wait3A_572 = tpu.memref_slice %arg6[%multiple_of3A_466] : memref<6400xi32, #tpu.memory_space<vmem>> -> memref<128xi32, #tpu.memory_space<vmem>>
      %dma_wait3A_573 = arith.constant 0 : i32
      %dma_wait3A_574 = tpu.memref_slice %arg10[%dma_wait3A_573] : memref<1000000xf32, #tpu.memory_space<vmem_shared>> -> memref<1000000xf32, #tpu.memory_space<vmem_shared>>
      tpu.wait_indirect_dma semaphore(%arg12 : memref<!tpu.dma_semaphore, #tpu.memory_space<semaphore_mem>>) src(%dma_wait3A_574 : memref<1000000xf32, #tpu.memory_space<vmem_shared>>) dst(%dma_wait3A_571 : memref<128xf32, #tpu.memory_space<vmem>>)
      %dma_wait3A_575 = tpu.memref_slice %arg7[%multiple_of3A_471] : memref<6400xf32, #tpu.memory_space<vmem>> -> memref<128xf32, #tpu.memory_space<vmem>>
      %dma_wait3A_576 = tpu.memref_slice %arg6[%multiple_of3A_471] : memref<6400xi32, #tpu.memory_space<vmem>> -> memref<128xi32, #tpu.memory_space<vmem>>
      %dma_wait3A_577 = arith.constant 0 : i32
      %dma_wait3A_578 = tpu.memref_slice %arg10[%dma_wait3A_577] : memref<1000000xf32, #tpu.memory_space<vmem_shared>> -> memref<1000000xf32, #tpu.memory_space<vmem_shared>>
      tpu.wait_indirect_dma semaphore(%arg12 : memref<!tpu.dma_semaphore, #tpu.memory_space<semaphore_mem>>) src(%dma_wait3A_578 : memref<1000000xf32, #tpu.memory_space<vmem_shared>>) dst(%dma_wait3A_575 : memref<128xf32, #tpu.memory_space<vmem>>)
      %dma_wait3A_579 = tpu.memref_slice %arg7[%multiple_of3A_476] : memref<6400xf32, #tpu.memory_space<vmem>> -> memref<128xf32, #tpu.memory_space<vmem>>
      %dma_wait3A_580 = tpu.memref_slice %arg6[%multiple_of3A_476] : memref<6400xi32, #tpu.memory_space<vmem>> -> memref<128xi32, #tpu.memory_space<vmem>>
      %dma_wait3A_581 = arith.constant 0 : i32
      %dma_wait3A_582 = tpu.memref_slice %arg10[%dma_wait3A_581] : memref<1000000xf32, #tpu.memory_space<vmem_shared>> -> memref<1000000xf32, #tpu.memory_space<vmem_shared>>
      tpu.wait_indirect_dma semaphore(%arg12 : memref<!tpu.dma_semaphore, #tpu.memory_space<semaphore_mem>>) src(%dma_wait3A_582 : memref<1000000xf32, #tpu.memory_space<vmem_shared>>) dst(%dma_wait3A_579 : memref<128xf32, #tpu.memory_space<vmem>>)
      %dma_wait3A_583 = tpu.memref_slice %arg7[%multiple_of3A_481] : memref<6400xf32, #tpu.memory_space<vmem>> -> memref<128xf32, #tpu.memory_space<vmem>>
      %dma_wait3A_584 = tpu.memref_slice %arg6[%multiple_of3A_481] : memref<6400xi32, #tpu.memory_space<vmem>> -> memref<128xi32, #tpu.memory_space<vmem>>
      %dma_wait3A_585 = arith.constant 0 : i32
      %dma_wait3A_586 = tpu.memref_slice %arg10[%dma_wait3A_585] : memref<1000000xf32, #tpu.memory_space<vmem_shared>> -> memref<1000000xf32, #tpu.memory_space<vmem_shared>>
      tpu.wait_indirect_dma semaphore(%arg12 : memref<!tpu.dma_semaphore, #tpu.memory_space<semaphore_mem>>) src(%dma_wait3A_586 : memref<1000000xf32, #tpu.memory_space<vmem_shared>>) dst(%dma_wait3A_583 : memref<128xf32, #tpu.memory_space<vmem>>)
      %dma_wait3A_587 = tpu.memref_slice %arg7[%multiple_of3A_486] : memref<6400xf32, #tpu.memory_space<vmem>> -> memref<128xf32, #tpu.memory_space<vmem>>
      %dma_wait3A_588 = tpu.memref_slice %arg6[%multiple_of3A_486] : memref<6400xi32, #tpu.memory_space<vmem>> -> memref<128xi32, #tpu.memory_space<vmem>>
      %dma_wait3A_589 = arith.constant 0 : i32
      %dma_wait3A_590 = tpu.memref_slice %arg10[%dma_wait3A_589] : memref<1000000xf32, #tpu.memory_space<vmem_shared>> -> memref<1000000xf32, #tpu.memory_space<vmem_shared>>
      tpu.wait_indirect_dma semaphore(%arg12 : memref<!tpu.dma_semaphore, #tpu.memory_space<semaphore_mem>>) src(%dma_wait3A_590 : memref<1000000xf32, #tpu.memory_space<vmem_shared>>) dst(%dma_wait3A_587 : memref<128xf32, #tpu.memory_space<vmem>>)
      %dma_wait3A_591 = tpu.memref_slice %arg7[%multiple_of3A_491] : memref<6400xf32, #tpu.memory_space<vmem>> -> memref<128xf32, #tpu.memory_space<vmem>>
      %dma_wait3A_592 = tpu.memref_slice %arg6[%multiple_of3A_491] : memref<6400xi32, #tpu.memory_space<vmem>> -> memref<128xi32, #tpu.memory_space<vmem>>
      %dma_wait3A_593 = arith.constant 0 : i32
      %dma_wait3A_594 = tpu.memref_slice %arg10[%dma_wait3A_593] : memref<1000000xf32, #tpu.memory_space<vmem_shared>> -> memref<1000000xf32, #tpu.memory_space<vmem_shared>>
      tpu.wait_indirect_dma semaphore(%arg12 : memref<!tpu.dma_semaphore, #tpu.memory_space<semaphore_mem>>) src(%dma_wait3A_594 : memref<1000000xf32, #tpu.memory_space<vmem_shared>>) dst(%dma_wait3A_591 : memref<128xf32, #tpu.memory_space<vmem>>)
      %dma_wait3A_595 = tpu.memref_slice %arg7[%multiple_of3A_496] : memref<6400xf32, #tpu.memory_space<vmem>> -> memref<128xf32, #tpu.memory_space<vmem>>
      %dma_wait3A_596 = tpu.memref_slice %arg6[%multiple_of3A_496] : memref<6400xi32, #tpu.memory_space<vmem>> -> memref<128xi32, #tpu.memory_space<vmem>>
      %dma_wait3A_597 = arith.constant 0 : i32
      %dma_wait3A_598 = tpu.memref_slice %arg10[%dma_wait3A_597] : memref<1000000xf32, #tpu.memory_space<vmem_shared>> -> memref<1000000xf32, #tpu.memory_space<vmem_shared>>
      tpu.wait_indirect_dma semaphore(%arg12 : memref<!tpu.dma_semaphore, #tpu.memory_space<semaphore_mem>>) src(%dma_wait3A_598 : memref<1000000xf32, #tpu.memory_space<vmem_shared>>) dst(%dma_wait3A_595 : memref<128xf32, #tpu.memory_space<vmem>>)
      %dma_wait3A_599 = tpu.memref_slice %arg7[%multiple_of3A_501] : memref<6400xf32, #tpu.memory_space<vmem>> -> memref<128xf32, #tpu.memory_space<vmem>>
      %dma_wait3A_600 = tpu.memref_slice %arg6[%multiple_of3A_501] : memref<6400xi32, #tpu.memory_space<vmem>> -> memref<128xi32, #tpu.memory_space<vmem>>
      %dma_wait3A_601 = arith.constant 0 : i32
      %dma_wait3A_602 = tpu.memref_slice %arg10[%dma_wait3A_601] : memref<1000000xf32, #tpu.memory_space<vmem_shared>> -> memref<1000000xf32, #tpu.memory_space<vmem_shared>>
      tpu.wait_indirect_dma semaphore(%arg12 : memref<!tpu.dma_semaphore, #tpu.memory_space<semaphore_mem>>) src(%dma_wait3A_602 : memref<1000000xf32, #tpu.memory_space<vmem_shared>>) dst(%dma_wait3A_599 : memref<128xf32, #tpu.memory_space<vmem>>)
      %dma_wait3A_603 = tpu.memref_slice %arg7[%multiple_of3A_506] : memref<6400xf32, #tpu.memory_space<vmem>> -> memref<128xf32, #tpu.memory_space<vmem>>
      %dma_wait3A_604 = tpu.memref_slice %arg6[%multiple_of3A_506] : memref<6400xi32, #tpu.memory_space<vmem>> -> memref<128xi32, #tpu.memory_space<vmem>>
      %dma_wait3A_605 = arith.constant 0 : i32
      %dma_wait3A_606 = tpu.memref_slice %arg10[%dma_wait3A_605] : memref<1000000xf32, #tpu.memory_space<vmem_shared>> -> memref<1000000xf32, #tpu.memory_space<vmem_shared>>
      tpu.wait_indirect_dma semaphore(%arg12 : memref<!tpu.dma_semaphore, #tpu.memory_space<semaphore_mem>>) src(%dma_wait3A_606 : memref<1000000xf32, #tpu.memory_space<vmem_shared>>) dst(%dma_wait3A_603 : memref<128xf32, #tpu.memory_space<vmem>>)
      %add3A_607 = arith.constant 2 : i32
      %add3A_608 = arith.addi %add3A_370, %add3A_607 : i32
      %min3A = arith.constant 31 : i32
      %min3A_609 = arith.minsi %add3A_608, %min3A : i32
      %mul3A_610 = arith.constant 32 : i32
      %mul3A_611 = arith.muli %add3A, %mul3A_610 : i32
      %add3A_612 = arith.addi %mul3A_611, %min3A_609 : i32
      %mul3A_613 = arith.constant 3200 : i32
      %mul3A_614 = arith.muli %add3A_612, %mul3A_613 : i32
      %multiple_of3A_615 = tpu.assume_multiple %mul3A_614, 128 : i32
      %mul3A_616 = arith.constant 3200 : i32
      %mul3A_617 = arith.muli %select_n3A_380, %mul3A_616 : i32
      %multiple_of3A_618 = tpu.assume_multiple %mul3A_617, 128 : i32
      %dma_start3A_619 = tpu.memref_slice %arg6[%multiple_of3A_618] : memref<6400xi32, #tpu.memory_space<vmem>> -> memref<3200xi32, #tpu.memory_space<vmem>>
      %dma_start3A_620 = tpu.memref_slice %arg2[%multiple_of3A_615] : memref<3276800xi32, #tpu.memory_space<hbm>> -> memref<3200xi32, #tpu.memory_space<hbm>>
      %dma_start3A_621 = tpu.memref_slice %arg6[%multiple_of3A_618] : memref<6400xi32, #tpu.memory_space<vmem>> -> memref<3200xi32, #tpu.memory_space<vmem>>
      %dma_start3A_622 = tpu.memref_slice %arg2[%multiple_of3A_615] : memref<3276800xi32, #tpu.memory_space<hbm>> -> memref<3200xi32, #tpu.memory_space<hbm>>
      tpu.enqueue_dma source(%dma_start3A_622 : memref<3200xi32, #tpu.memory_space<hbm>>) target(%dma_start3A_621 : memref<3200xi32, #tpu.memory_space<vmem>>) target_semaphore(%arg11 : memref<!tpu.dma_semaphore, #tpu.memory_space<semaphore_mem>>)
      %mul3A_623 = arith.constant 32 : i32
      %mul3A_624 = arith.muli %add3A, %mul3A_623 : i32
      %add3A_625 = arith.addi %mul3A_624, %add3A_370 : i32
      %mul3A_626 = arith.constant 3200 : i32
      %mul3A_627 = arith.muli %add3A_625, %mul3A_626 : i32
      %multiple_of3A_628 = tpu.assume_multiple %mul3A_627, 128 : i32
      %mul3A_629 = arith.constant 3200 : i32
      %mul3A_630 = arith.muli %sub3A_381, %mul3A_629 : i32
      %multiple_of3A_631 = tpu.assume_multiple %mul3A_630, 128 : i32
      %dma_wait3A_632 = tpu.memref_slice %arg6[%multiple_of3A_631] : memref<6400xi32, #tpu.memory_space<vmem>> -> memref<3200xi32, #tpu.memory_space<vmem>>
      %dma_wait3A_633 = tpu.memref_slice %arg2[%multiple_of3A_628] : memref<3276800xi32, #tpu.memory_space<hbm>> -> memref<3200xi32, #tpu.memory_space<hbm>>
      %dma_wait3A_634 = tpu.memref_slice %arg6[%multiple_of3A_631] : memref<6400xi32, #tpu.memory_space<vmem>> -> memref<3200xi32, #tpu.memory_space<vmem>>
      %dma_wait3A_635 = tpu.memref_slice %arg2[%multiple_of3A_628] : memref<3276800xi32, #tpu.memory_space<hbm>> -> memref<3200xi32, #tpu.memory_space<hbm>>
      tpu.wait_dma2 semaphore(%arg11 : memref<!tpu.dma_semaphore, #tpu.memory_space<semaphore_mem>>) src(%dma_wait3A_635 : memref<3200xi32, #tpu.memory_space<hbm>>) dst(%dma_wait3A_634 : memref<3200xi32, #tpu.memory_space<vmem>>)
      %mul3A_636 = arith.constant 3200 : i32
      %mul3A_637 = arith.muli %sub3A_381, %mul3A_636 : i32
      %add3A_638 = arith.constant 0 : i32
      %add3A_639 = arith.addi %mul3A_637, %add3A_638 : i32
      %multiple_of3A_640 = tpu.assume_multiple %add3A_639, 128 : i32
      %mul3A_641 = arith.constant 3200 : i32
      %mul3A_642 = arith.muli %sub3A_381, %mul3A_641 : i32
      %add3A_643 = arith.constant 128 : i32
      %add3A_644 = arith.addi %mul3A_642, %add3A_643 : i32
      %multiple_of3A_645 = tpu.assume_multiple %add3A_644, 128 : i32
      %mul3A_646 = arith.constant 3200 : i32
      %mul3A_647 = arith.muli %sub3A_381, %mul3A_646 : i32
      %add3A_648 = arith.constant 256 : i32
      %add3A_649 = arith.addi %mul3A_647, %add3A_648 : i32
      %multiple_of3A_650 = tpu.assume_multiple %add3A_649, 128 : i32
      %mul3A_651 = arith.constant 3200 : i32
      %mul3A_652 = arith.muli %sub3A_381, %mul3A_651 : i32
      %add3A_653 = arith.constant 384 : i32
      %add3A_654 = arith.addi %mul3A_652, %add3A_653 : i32
      %multiple_of3A_655 = tpu.assume_multiple %add3A_654, 128 : i32
      %mul3A_656 = arith.constant 3200 : i32
      %mul3A_657 = arith.muli %sub3A_381, %mul3A_656 : i32
      %add3A_658 = arith.constant 512 : i32
      %add3A_659 = arith.addi %mul3A_657, %add3A_658 : i32
      %multiple_of3A_660 = tpu.assume_multiple %add3A_659, 128 : i32
      %mul3A_661 = arith.constant 3200 : i32
      %mul3A_662 = arith.muli %sub3A_381, %mul3A_661 : i32
      %add3A_663 = arith.constant 640 : i32
      %add3A_664 = arith.addi %mul3A_662, %add3A_663 : i32
      %multiple_of3A_665 = tpu.assume_multiple %add3A_664, 128 : i32
      %mul3A_666 = arith.constant 3200 : i32
      %mul3A_667 = arith.muli %sub3A_381, %mul3A_666 : i32
      %add3A_668 = arith.constant 768 : i32
      %add3A_669 = arith.addi %mul3A_667, %add3A_668 : i32
      %multiple_of3A_670 = tpu.assume_multiple %add3A_669, 128 : i32
      %mul3A_671 = arith.constant 3200 : i32
      %mul3A_672 = arith.muli %sub3A_381, %mul3A_671 : i32
      %add3A_673 = arith.constant 896 : i32
      %add3A_674 = arith.addi %mul3A_672, %add3A_673 : i32
      %multiple_of3A_675 = tpu.assume_multiple %add3A_674, 128 : i32
      %mul3A_676 = arith.constant 3200 : i32
      %mul3A_677 = arith.muli %sub3A_381, %mul3A_676 : i32
      %add3A_678 = arith.constant 1024 : i32
      %add3A_679 = arith.addi %mul3A_677, %add3A_678 : i32
      %multiple_of3A_680 = tpu.assume_multiple %add3A_679, 128 : i32
      %mul3A_681 = arith.constant 3200 : i32
      %mul3A_682 = arith.muli %sub3A_381, %mul3A_681 : i32
      %add3A_683 = arith.constant 1152 : i32
      %add3A_684 = arith.addi %mul3A_682, %add3A_683 : i32
      %multiple_of3A_685 = tpu.assume_multiple %add3A_684, 128 : i32
      %mul3A_686 = arith.constant 3200 : i32
      %mul3A_687 = arith.muli %sub3A_381, %mul3A_686 : i32
      %add3A_688 = arith.constant 1280 : i32
      %add3A_689 = arith.addi %mul3A_687, %add3A_688 : i32
      %multiple_of3A_690 = tpu.assume_multiple %add3A_689, 128 : i32
      %mul3A_691 = arith.constant 3200 : i32
      %mul3A_692 = arith.muli %sub3A_381, %mul3A_691 : i32
      %add3A_693 = arith.constant 1408 : i32
      %add3A_694 = arith.addi %mul3A_692, %add3A_693 : i32
      %multiple_of3A_695 = tpu.assume_multiple %add3A_694, 128 : i32
      %mul3A_696 = arith.constant 3200 : i32
      %mul3A_697 = arith.muli %sub3A_381, %mul3A_696 : i32
      %add3A_698 = arith.constant 1536 : i32
      %add3A_699 = arith.addi %mul3A_697, %add3A_698 : i32
      %multiple_of3A_700 = tpu.assume_multiple %add3A_699, 128 : i32
      %mul3A_701 = arith.constant 3200 : i32
      %mul3A_702 = arith.muli %sub3A_381, %mul3A_701 : i32
      %add3A_703 = arith.constant 1664 : i32
      %add3A_704 = arith.addi %mul3A_702, %add3A_703 : i32
      %multiple_of3A_705 = tpu.assume_multiple %add3A_704, 128 : i32
      %mul3A_706 = arith.constant 3200 : i32
      %mul3A_707 = arith.muli %sub3A_381, %mul3A_706 : i32
      %add3A_708 = arith.constant 1792 : i32
      %add3A_709 = arith.addi %mul3A_707, %add3A_708 : i32
      %multiple_of3A_710 = tpu.assume_multiple %add3A_709, 128 : i32
      %mul3A_711 = arith.constant 3200 : i32
      %mul3A_712 = arith.muli %sub3A_381, %mul3A_711 : i32
      %add3A_713 = arith.constant 1920 : i32
      %add3A_714 = arith.addi %mul3A_712, %add3A_713 : i32
      %multiple_of3A_715 = tpu.assume_multiple %add3A_714, 128 : i32
      %mul3A_716 = arith.constant 3200 : i32
      %mul3A_717 = arith.muli %sub3A_381, %mul3A_716 : i32
      %add3A_718 = arith.constant 2048 : i32
      %add3A_719 = arith.addi %mul3A_717, %add3A_718 : i32
      %multiple_of3A_720 = tpu.assume_multiple %add3A_719, 128 : i32
      %mul3A_721 = arith.constant 3200 : i32
      %mul3A_722 = arith.muli %sub3A_381, %mul3A_721 : i32
      %add3A_723 = arith.constant 2176 : i32
      %add3A_724 = arith.addi %mul3A_722, %add3A_723 : i32
      %multiple_of3A_725 = tpu.assume_multiple %add3A_724, 128 : i32
      %mul3A_726 = arith.constant 3200 : i32
      %mul3A_727 = arith.muli %sub3A_381, %mul3A_726 : i32
      %add3A_728 = arith.constant 2304 : i32
      %add3A_729 = arith.addi %mul3A_727, %add3A_728 : i32
      %multiple_of3A_730 = tpu.assume_multiple %add3A_729, 128 : i32
      %mul3A_731 = arith.constant 3200 : i32
      %mul3A_732 = arith.muli %sub3A_381, %mul3A_731 : i32
      %add3A_733 = arith.constant 2432 : i32
      %add3A_734 = arith.addi %mul3A_732, %add3A_733 : i32
      %multiple_of3A_735 = tpu.assume_multiple %add3A_734, 128 : i32
      %mul3A_736 = arith.constant 3200 : i32
      %mul3A_737 = arith.muli %sub3A_381, %mul3A_736 : i32
      %add3A_738 = arith.constant 2560 : i32
      %add3A_739 = arith.addi %mul3A_737, %add3A_738 : i32
      %multiple_of3A_740 = tpu.assume_multiple %add3A_739, 128 : i32
      %mul3A_741 = arith.constant 3200 : i32
      %mul3A_742 = arith.muli %sub3A_381, %mul3A_741 : i32
      %add3A_743 = arith.constant 2688 : i32
      %add3A_744 = arith.addi %mul3A_742, %add3A_743 : i32
      %multiple_of3A_745 = tpu.assume_multiple %add3A_744, 128 : i32
      %mul3A_746 = arith.constant 3200 : i32
      %mul3A_747 = arith.muli %sub3A_381, %mul3A_746 : i32
      %add3A_748 = arith.constant 2816 : i32
      %add3A_749 = arith.addi %mul3A_747, %add3A_748 : i32
      %multiple_of3A_750 = tpu.assume_multiple %add3A_749, 128 : i32
      %mul3A_751 = arith.constant 3200 : i32
      %mul3A_752 = arith.muli %sub3A_381, %mul3A_751 : i32
      %add3A_753 = arith.constant 2944 : i32
      %add3A_754 = arith.addi %mul3A_752, %add3A_753 : i32
      %multiple_of3A_755 = tpu.assume_multiple %add3A_754, 128 : i32
      %mul3A_756 = arith.constant 3200 : i32
      %mul3A_757 = arith.muli %sub3A_381, %mul3A_756 : i32
      %add3A_758 = arith.constant 3072 : i32
      %add3A_759 = arith.addi %mul3A_757, %add3A_758 : i32
      %multiple_of3A_760 = tpu.assume_multiple %add3A_759, 128 : i32
      %dma_start3A_761 = tpu.memref_slice %arg7[%multiple_of3A_640] : memref<6400xf32, #tpu.memory_space<vmem>> -> memref<128xf32, #tpu.memory_space<vmem>>
      %dma_start3A_762 = tpu.memref_slice %arg6[%multiple_of3A_640] : memref<6400xi32, #tpu.memory_space<vmem>> -> memref<128xi32, #tpu.memory_space<vmem>>
      %dma_start3A_763 = arith.constant 0 : i32
      %dma_start3A_764 = tpu.memref_slice %arg10[%dma_start3A_763] : memref<1000000xf32, #tpu.memory_space<vmem_shared>> -> memref<1000000xf32, #tpu.memory_space<vmem_shared>>
      tpu.enqueue_indirect_dma source(%dma_start3A_764 : memref<1000000xf32, #tpu.memory_space<vmem_shared>>) target(%dma_start3A_761 : memref<128xf32, #tpu.memory_space<vmem>>) offsets(%dma_start3A_762 : memref<128xi32, #tpu.memory_space<vmem>>) semaphore(%arg12 : memref<!tpu.dma_semaphore, #tpu.memory_space<semaphore_mem>>)
      %dma_start3A_765 = tpu.memref_slice %arg7[%multiple_of3A_645] : memref<6400xf32, #tpu.memory_space<vmem>> -> memref<128xf32, #tpu.memory_space<vmem>>
      %dma_start3A_766 = tpu.memref_slice %arg6[%multiple_of3A_645] : memref<6400xi32, #tpu.memory_space<vmem>> -> memref<128xi32, #tpu.memory_space<vmem>>
      %dma_start3A_767 = arith.constant 0 : i32
      %dma_start3A_768 = tpu.memref_slice %arg10[%dma_start3A_767] : memref<1000000xf32, #tpu.memory_space<vmem_shared>> -> memref<1000000xf32, #tpu.memory_space<vmem_shared>>
      tpu.enqueue_indirect_dma source(%dma_start3A_768 : memref<1000000xf32, #tpu.memory_space<vmem_shared>>) target(%dma_start3A_765 : memref<128xf32, #tpu.memory_space<vmem>>) offsets(%dma_start3A_766 : memref<128xi32, #tpu.memory_space<vmem>>) semaphore(%arg12 : memref<!tpu.dma_semaphore, #tpu.memory_space<semaphore_mem>>)
      %dma_start3A_769 = tpu.memref_slice %arg7[%multiple_of3A_650] : memref<6400xf32, #tpu.memory_space<vmem>> -> memref<128xf32, #tpu.memory_space<vmem>>
      %dma_start3A_770 = tpu.memref_slice %arg6[%multiple_of3A_650] : memref<6400xi32, #tpu.memory_space<vmem>> -> memref<128xi32, #tpu.memory_space<vmem>>
      %dma_start3A_771 = arith.constant 0 : i32
      %dma_start3A_772 = tpu.memref_slice %arg10[%dma_start3A_771] : memref<1000000xf32, #tpu.memory_space<vmem_shared>> -> memref<1000000xf32, #tpu.memory_space<vmem_shared>>
      tpu.enqueue_indirect_dma source(%dma_start3A_772 : memref<1000000xf32, #tpu.memory_space<vmem_shared>>) target(%dma_start3A_769 : memref<128xf32, #tpu.memory_space<vmem>>) offsets(%dma_start3A_770 : memref<128xi32, #tpu.memory_space<vmem>>) semaphore(%arg12 : memref<!tpu.dma_semaphore, #tpu.memory_space<semaphore_mem>>)
      %dma_start3A_773 = tpu.memref_slice %arg7[%multiple_of3A_655] : memref<6400xf32, #tpu.memory_space<vmem>> -> memref<128xf32, #tpu.memory_space<vmem>>
      %dma_start3A_774 = tpu.memref_slice %arg6[%multiple_of3A_655] : memref<6400xi32, #tpu.memory_space<vmem>> -> memref<128xi32, #tpu.memory_space<vmem>>
      %dma_start3A_775 = arith.constant 0 : i32
      %dma_start3A_776 = tpu.memref_slice %arg10[%dma_start3A_775] : memref<1000000xf32, #tpu.memory_space<vmem_shared>> -> memref<1000000xf32, #tpu.memory_space<vmem_shared>>
      tpu.enqueue_indirect_dma source(%dma_start3A_776 : memref<1000000xf32, #tpu.memory_space<vmem_shared>>) target(%dma_start3A_773 : memref<128xf32, #tpu.memory_space<vmem>>) offsets(%dma_start3A_774 : memref<128xi32, #tpu.memory_space<vmem>>) semaphore(%arg12 : memref<!tpu.dma_semaphore, #tpu.memory_space<semaphore_mem>>)
      %dma_start3A_777 = tpu.memref_slice %arg7[%multiple_of3A_660] : memref<6400xf32, #tpu.memory_space<vmem>> -> memref<128xf32, #tpu.memory_space<vmem>>
      %dma_start3A_778 = tpu.memref_slice %arg6[%multiple_of3A_660] : memref<6400xi32, #tpu.memory_space<vmem>> -> memref<128xi32, #tpu.memory_space<vmem>>
      %dma_start3A_779 = arith.constant 0 : i32
      %dma_start3A_780 = tpu.memref_slice %arg10[%dma_start3A_779] : memref<1000000xf32, #tpu.memory_space<vmem_shared>> -> memref<1000000xf32, #tpu.memory_space<vmem_shared>>
      tpu.enqueue_indirect_dma source(%dma_start3A_780 : memref<1000000xf32, #tpu.memory_space<vmem_shared>>) target(%dma_start3A_777 : memref<128xf32, #tpu.memory_space<vmem>>) offsets(%dma_start3A_778 : memref<128xi32, #tpu.memory_space<vmem>>) semaphore(%arg12 : memref<!tpu.dma_semaphore, #tpu.memory_space<semaphore_mem>>)
      %dma_start3A_781 = tpu.memref_slice %arg7[%multiple_of3A_665] : memref<6400xf32, #tpu.memory_space<vmem>> -> memref<128xf32, #tpu.memory_space<vmem>>
      %dma_start3A_782 = tpu.memref_slice %arg6[%multiple_of3A_665] : memref<6400xi32, #tpu.memory_space<vmem>> -> memref<128xi32, #tpu.memory_space<vmem>>
      %dma_start3A_783 = arith.constant 0 : i32
      %dma_start3A_784 = tpu.memref_slice %arg10[%dma_start3A_783] : memref<1000000xf32, #tpu.memory_space<vmem_shared>> -> memref<1000000xf32, #tpu.memory_space<vmem_shared>>
      tpu.enqueue_indirect_dma source(%dma_start3A_784 : memref<1000000xf32, #tpu.memory_space<vmem_shared>>) target(%dma_start3A_781 : memref<128xf32, #tpu.memory_space<vmem>>) offsets(%dma_start3A_782 : memref<128xi32, #tpu.memory_space<vmem>>) semaphore(%arg12 : memref<!tpu.dma_semaphore, #tpu.memory_space<semaphore_mem>>)
      %dma_start3A_785 = tpu.memref_slice %arg7[%multiple_of3A_670] : memref<6400xf32, #tpu.memory_space<vmem>> -> memref<128xf32, #tpu.memory_space<vmem>>
      %dma_start3A_786 = tpu.memref_slice %arg6[%multiple_of3A_670] : memref<6400xi32, #tpu.memory_space<vmem>> -> memref<128xi32, #tpu.memory_space<vmem>>
      %dma_start3A_787 = arith.constant 0 : i32
      %dma_start3A_788 = tpu.memref_slice %arg10[%dma_start3A_787] : memref<1000000xf32, #tpu.memory_space<vmem_shared>> -> memref<1000000xf32, #tpu.memory_space<vmem_shared>>
      tpu.enqueue_indirect_dma source(%dma_start3A_788 : memref<1000000xf32, #tpu.memory_space<vmem_shared>>) target(%dma_start3A_785 : memref<128xf32, #tpu.memory_space<vmem>>) offsets(%dma_start3A_786 : memref<128xi32, #tpu.memory_space<vmem>>) semaphore(%arg12 : memref<!tpu.dma_semaphore, #tpu.memory_space<semaphore_mem>>)
      %dma_start3A_789 = tpu.memref_slice %arg7[%multiple_of3A_675] : memref<6400xf32, #tpu.memory_space<vmem>> -> memref<128xf32, #tpu.memory_space<vmem>>
      %dma_start3A_790 = tpu.memref_slice %arg6[%multiple_of3A_675] : memref<6400xi32, #tpu.memory_space<vmem>> -> memref<128xi32, #tpu.memory_space<vmem>>
      %dma_start3A_791 = arith.constant 0 : i32
      %dma_start3A_792 = tpu.memref_slice %arg10[%dma_start3A_791] : memref<1000000xf32, #tpu.memory_space<vmem_shared>> -> memref<1000000xf32, #tpu.memory_space<vmem_shared>>
      tpu.enqueue_indirect_dma source(%dma_start3A_792 : memref<1000000xf32, #tpu.memory_space<vmem_shared>>) target(%dma_start3A_789 : memref<128xf32, #tpu.memory_space<vmem>>) offsets(%dma_start3A_790 : memref<128xi32, #tpu.memory_space<vmem>>) semaphore(%arg12 : memref<!tpu.dma_semaphore, #tpu.memory_space<semaphore_mem>>)
      %dma_start3A_793 = tpu.memref_slice %arg7[%multiple_of3A_680] : memref<6400xf32, #tpu.memory_space<vmem>> -> memref<128xf32, #tpu.memory_space<vmem>>
      %dma_start3A_794 = tpu.memref_slice %arg6[%multiple_of3A_680] : memref<6400xi32, #tpu.memory_space<vmem>> -> memref<128xi32, #tpu.memory_space<vmem>>
      %dma_start3A_795 = arith.constant 0 : i32
      %dma_start3A_796 = tpu.memref_slice %arg10[%dma_start3A_795] : memref<1000000xf32, #tpu.memory_space<vmem_shared>> -> memref<1000000xf32, #tpu.memory_space<vmem_shared>>
      tpu.enqueue_indirect_dma source(%dma_start3A_796 : memref<1000000xf32, #tpu.memory_space<vmem_shared>>) target(%dma_start3A_793 : memref<128xf32, #tpu.memory_space<vmem>>) offsets(%dma_start3A_794 : memref<128xi32, #tpu.memory_space<vmem>>) semaphore(%arg12 : memref<!tpu.dma_semaphore, #tpu.memory_space<semaphore_mem>>)
      %dma_start3A_797 = tpu.memref_slice %arg7[%multiple_of3A_685] : memref<6400xf32, #tpu.memory_space<vmem>> -> memref<128xf32, #tpu.memory_space<vmem>>
      %dma_start3A_798 = tpu.memref_slice %arg6[%multiple_of3A_685] : memref<6400xi32, #tpu.memory_space<vmem>> -> memref<128xi32, #tpu.memory_space<vmem>>
      %dma_start3A_799 = arith.constant 0 : i32
      %dma_start3A_800 = tpu.memref_slice %arg10[%dma_start3A_799] : memref<1000000xf32, #tpu.memory_space<vmem_shared>> -> memref<1000000xf32, #tpu.memory_space<vmem_shared>>
      tpu.enqueue_indirect_dma source(%dma_start3A_800 : memref<1000000xf32, #tpu.memory_space<vmem_shared>>) target(%dma_start3A_797 : memref<128xf32, #tpu.memory_space<vmem>>) offsets(%dma_start3A_798 : memref<128xi32, #tpu.memory_space<vmem>>) semaphore(%arg12 : memref<!tpu.dma_semaphore, #tpu.memory_space<semaphore_mem>>)
      %dma_start3A_801 = tpu.memref_slice %arg7[%multiple_of3A_690] : memref<6400xf32, #tpu.memory_space<vmem>> -> memref<128xf32, #tpu.memory_space<vmem>>
      %dma_start3A_802 = tpu.memref_slice %arg6[%multiple_of3A_690] : memref<6400xi32, #tpu.memory_space<vmem>> -> memref<128xi32, #tpu.memory_space<vmem>>
      %dma_start3A_803 = arith.constant 0 : i32
      %dma_start3A_804 = tpu.memref_slice %arg10[%dma_start3A_803] : memref<1000000xf32, #tpu.memory_space<vmem_shared>> -> memref<1000000xf32, #tpu.memory_space<vmem_shared>>
      tpu.enqueue_indirect_dma source(%dma_start3A_804 : memref<1000000xf32, #tpu.memory_space<vmem_shared>>) target(%dma_start3A_801 : memref<128xf32, #tpu.memory_space<vmem>>) offsets(%dma_start3A_802 : memref<128xi32, #tpu.memory_space<vmem>>) semaphore(%arg12 : memref<!tpu.dma_semaphore, #tpu.memory_space<semaphore_mem>>)
      %dma_start3A_805 = tpu.memref_slice %arg7[%multiple_of3A_695] : memref<6400xf32, #tpu.memory_space<vmem>> -> memref<128xf32, #tpu.memory_space<vmem>>
      %dma_start3A_806 = tpu.memref_slice %arg6[%multiple_of3A_695] : memref<6400xi32, #tpu.memory_space<vmem>> -> memref<128xi32, #tpu.memory_space<vmem>>
      %dma_start3A_807 = arith.constant 0 : i32
      %dma_start3A_808 = tpu.memref_slice %arg10[%dma_start3A_807] : memref<1000000xf32, #tpu.memory_space<vmem_shared>> -> memref<1000000xf32, #tpu.memory_space<vmem_shared>>
      tpu.enqueue_indirect_dma source(%dma_start3A_808 : memref<1000000xf32, #tpu.memory_space<vmem_shared>>) target(%dma_start3A_805 : memref<128xf32, #tpu.memory_space<vmem>>) offsets(%dma_start3A_806 : memref<128xi32, #tpu.memory_space<vmem>>) semaphore(%arg12 : memref<!tpu.dma_semaphore, #tpu.memory_space<semaphore_mem>>)
      %dma_start3A_809 = tpu.memref_slice %arg7[%multiple_of3A_700] : memref<6400xf32, #tpu.memory_space<vmem>> -> memref<128xf32, #tpu.memory_space<vmem>>
      %dma_start3A_810 = tpu.memref_slice %arg6[%multiple_of3A_700] : memref<6400xi32, #tpu.memory_space<vmem>> -> memref<128xi32, #tpu.memory_space<vmem>>
      %dma_start3A_811 = arith.constant 0 : i32
      %dma_start3A_812 = tpu.memref_slice %arg10[%dma_start3A_811] : memref<1000000xf32, #tpu.memory_space<vmem_shared>> -> memref<1000000xf32, #tpu.memory_space<vmem_shared>>
      tpu.enqueue_indirect_dma source(%dma_start3A_812 : memref<1000000xf32, #tpu.memory_space<vmem_shared>>) target(%dma_start3A_809 : memref<128xf32, #tpu.memory_space<vmem>>) offsets(%dma_start3A_810 : memref<128xi32, #tpu.memory_space<vmem>>) semaphore(%arg12 : memref<!tpu.dma_semaphore, #tpu.memory_space<semaphore_mem>>)
      %dma_start3A_813 = tpu.memref_slice %arg7[%multiple_of3A_705] : memref<6400xf32, #tpu.memory_space<vmem>> -> memref<128xf32, #tpu.memory_space<vmem>>
      %dma_start3A_814 = tpu.memref_slice %arg6[%multiple_of3A_705] : memref<6400xi32, #tpu.memory_space<vmem>> -> memref<128xi32, #tpu.memory_space<vmem>>
      %dma_start3A_815 = arith.constant 0 : i32
      %dma_start3A_816 = tpu.memref_slice %arg10[%dma_start3A_815] : memref<1000000xf32, #tpu.memory_space<vmem_shared>> -> memref<1000000xf32, #tpu.memory_space<vmem_shared>>
      tpu.enqueue_indirect_dma source(%dma_start3A_816 : memref<1000000xf32, #tpu.memory_space<vmem_shared>>) target(%dma_start3A_813 : memref<128xf32, #tpu.memory_space<vmem>>) offsets(%dma_start3A_814 : memref<128xi32, #tpu.memory_space<vmem>>) semaphore(%arg12 : memref<!tpu.dma_semaphore, #tpu.memory_space<semaphore_mem>>)
      %dma_start3A_817 = tpu.memref_slice %arg7[%multiple_of3A_710] : memref<6400xf32, #tpu.memory_space<vmem>> -> memref<128xf32, #tpu.memory_space<vmem>>
      %dma_start3A_818 = tpu.memref_slice %arg6[%multiple_of3A_710] : memref<6400xi32, #tpu.memory_space<vmem>> -> memref<128xi32, #tpu.memory_space<vmem>>
      %dma_start3A_819 = arith.constant 0 : i32
      %dma_start3A_820 = tpu.memref_slice %arg10[%dma_start3A_819] : memref<1000000xf32, #tpu.memory_space<vmem_shared>> -> memref<1000000xf32, #tpu.memory_space<vmem_shared>>
      tpu.enqueue_indirect_dma source(%dma_start3A_820 : memref<1000000xf32, #tpu.memory_space<vmem_shared>>) target(%dma_start3A_817 : memref<128xf32, #tpu.memory_space<vmem>>) offsets(%dma_start3A_818 : memref<128xi32, #tpu.memory_space<vmem>>) semaphore(%arg12 : memref<!tpu.dma_semaphore, #tpu.memory_space<semaphore_mem>>)
      %dma_start3A_821 = tpu.memref_slice %arg7[%multiple_of3A_715] : memref<6400xf32, #tpu.memory_space<vmem>> -> memref<128xf32, #tpu.memory_space<vmem>>
      %dma_start3A_822 = tpu.memref_slice %arg6[%multiple_of3A_715] : memref<6400xi32, #tpu.memory_space<vmem>> -> memref<128xi32, #tpu.memory_space<vmem>>
      %dma_start3A_823 = arith.constant 0 : i32
      %dma_start3A_824 = tpu.memref_slice %arg10[%dma_start3A_823] : memref<1000000xf32, #tpu.memory_space<vmem_shared>> -> memref<1000000xf32, #tpu.memory_space<vmem_shared>>
      tpu.enqueue_indirect_dma source(%dma_start3A_824 : memref<1000000xf32, #tpu.memory_space<vmem_shared>>) target(%dma_start3A_821 : memref<128xf32, #tpu.memory_space<vmem>>) offsets(%dma_start3A_822 : memref<128xi32, #tpu.memory_space<vmem>>) semaphore(%arg12 : memref<!tpu.dma_semaphore, #tpu.memory_space<semaphore_mem>>)
      %dma_start3A_825 = tpu.memref_slice %arg7[%multiple_of3A_720] : memref<6400xf32, #tpu.memory_space<vmem>> -> memref<128xf32, #tpu.memory_space<vmem>>
      %dma_start3A_826 = tpu.memref_slice %arg6[%multiple_of3A_720] : memref<6400xi32, #tpu.memory_space<vmem>> -> memref<128xi32, #tpu.memory_space<vmem>>
      %dma_start3A_827 = arith.constant 0 : i32
      %dma_start3A_828 = tpu.memref_slice %arg10[%dma_start3A_827] : memref<1000000xf32, #tpu.memory_space<vmem_shared>> -> memref<1000000xf32, #tpu.memory_space<vmem_shared>>
      tpu.enqueue_indirect_dma source(%dma_start3A_828 : memref<1000000xf32, #tpu.memory_space<vmem_shared>>) target(%dma_start3A_825 : memref<128xf32, #tpu.memory_space<vmem>>) offsets(%dma_start3A_826 : memref<128xi32, #tpu.memory_space<vmem>>) semaphore(%arg12 : memref<!tpu.dma_semaphore, #tpu.memory_space<semaphore_mem>>)
      %dma_start3A_829 = tpu.memref_slice %arg7[%multiple_of3A_725] : memref<6400xf32, #tpu.memory_space<vmem>> -> memref<128xf32, #tpu.memory_space<vmem>>
      %dma_start3A_830 = tpu.memref_slice %arg6[%multiple_of3A_725] : memref<6400xi32, #tpu.memory_space<vmem>> -> memref<128xi32, #tpu.memory_space<vmem>>
      %dma_start3A_831 = arith.constant 0 : i32
      %dma_start3A_832 = tpu.memref_slice %arg10[%dma_start3A_831] : memref<1000000xf32, #tpu.memory_space<vmem_shared>> -> memref<1000000xf32, #tpu.memory_space<vmem_shared>>
      tpu.enqueue_indirect_dma source(%dma_start3A_832 : memref<1000000xf32, #tpu.memory_space<vmem_shared>>) target(%dma_start3A_829 : memref<128xf32, #tpu.memory_space<vmem>>) offsets(%dma_start3A_830 : memref<128xi32, #tpu.memory_space<vmem>>) semaphore(%arg12 : memref<!tpu.dma_semaphore, #tpu.memory_space<semaphore_mem>>)
      %dma_start3A_833 = tpu.memref_slice %arg7[%multiple_of3A_730] : memref<6400xf32, #tpu.memory_space<vmem>> -> memref<128xf32, #tpu.memory_space<vmem>>
      %dma_start3A_834 = tpu.memref_slice %arg6[%multiple_of3A_730] : memref<6400xi32, #tpu.memory_space<vmem>> -> memref<128xi32, #tpu.memory_space<vmem>>
      %dma_start3A_835 = arith.constant 0 : i32
      %dma_start3A_836 = tpu.memref_slice %arg10[%dma_start3A_835] : memref<1000000xf32, #tpu.memory_space<vmem_shared>> -> memref<1000000xf32, #tpu.memory_space<vmem_shared>>
      tpu.enqueue_indirect_dma source(%dma_start3A_836 : memref<1000000xf32, #tpu.memory_space<vmem_shared>>) target(%dma_start3A_833 : memref<128xf32, #tpu.memory_space<vmem>>) offsets(%dma_start3A_834 : memref<128xi32, #tpu.memory_space<vmem>>) semaphore(%arg12 : memref<!tpu.dma_semaphore, #tpu.memory_space<semaphore_mem>>)
      %dma_start3A_837 = tpu.memref_slice %arg7[%multiple_of3A_735] : memref<6400xf32, #tpu.memory_space<vmem>> -> memref<128xf32, #tpu.memory_space<vmem>>
      %dma_start3A_838 = tpu.memref_slice %arg6[%multiple_of3A_735] : memref<6400xi32, #tpu.memory_space<vmem>> -> memref<128xi32, #tpu.memory_space<vmem>>
      %dma_start3A_839 = arith.constant 0 : i32
      %dma_start3A_840 = tpu.memref_slice %arg10[%dma_start3A_839] : memref<1000000xf32, #tpu.memory_space<vmem_shared>> -> memref<1000000xf32, #tpu.memory_space<vmem_shared>>
      tpu.enqueue_indirect_dma source(%dma_start3A_840 : memref<1000000xf32, #tpu.memory_space<vmem_shared>>) target(%dma_start3A_837 : memref<128xf32, #tpu.memory_space<vmem>>) offsets(%dma_start3A_838 : memref<128xi32, #tpu.memory_space<vmem>>) semaphore(%arg12 : memref<!tpu.dma_semaphore, #tpu.memory_space<semaphore_mem>>)
      %dma_start3A_841 = tpu.memref_slice %arg7[%multiple_of3A_740] : memref<6400xf32, #tpu.memory_space<vmem>> -> memref<128xf32, #tpu.memory_space<vmem>>
      %dma_start3A_842 = tpu.memref_slice %arg6[%multiple_of3A_740] : memref<6400xi32, #tpu.memory_space<vmem>> -> memref<128xi32, #tpu.memory_space<vmem>>
      %dma_start3A_843 = arith.constant 0 : i32
      %dma_start3A_844 = tpu.memref_slice %arg10[%dma_start3A_843] : memref<1000000xf32, #tpu.memory_space<vmem_shared>> -> memref<1000000xf32, #tpu.memory_space<vmem_shared>>
      tpu.enqueue_indirect_dma source(%dma_start3A_844 : memref<1000000xf32, #tpu.memory_space<vmem_shared>>) target(%dma_start3A_841 : memref<128xf32, #tpu.memory_space<vmem>>) offsets(%dma_start3A_842 : memref<128xi32, #tpu.memory_space<vmem>>) semaphore(%arg12 : memref<!tpu.dma_semaphore, #tpu.memory_space<semaphore_mem>>)
      %dma_start3A_845 = tpu.memref_slice %arg7[%multiple_of3A_745] : memref<6400xf32, #tpu.memory_space<vmem>> -> memref<128xf32, #tpu.memory_space<vmem>>
      %dma_start3A_846 = tpu.memref_slice %arg6[%multiple_of3A_745] : memref<6400xi32, #tpu.memory_space<vmem>> -> memref<128xi32, #tpu.memory_space<vmem>>
      %dma_start3A_847 = arith.constant 0 : i32
      %dma_start3A_848 = tpu.memref_slice %arg10[%dma_start3A_847] : memref<1000000xf32, #tpu.memory_space<vmem_shared>> -> memref<1000000xf32, #tpu.memory_space<vmem_shared>>
      tpu.enqueue_indirect_dma source(%dma_start3A_848 : memref<1000000xf32, #tpu.memory_space<vmem_shared>>) target(%dma_start3A_845 : memref<128xf32, #tpu.memory_space<vmem>>) offsets(%dma_start3A_846 : memref<128xi32, #tpu.memory_space<vmem>>) semaphore(%arg12 : memref<!tpu.dma_semaphore, #tpu.memory_space<semaphore_mem>>)
      %dma_start3A_849 = tpu.memref_slice %arg7[%multiple_of3A_750] : memref<6400xf32, #tpu.memory_space<vmem>> -> memref<128xf32, #tpu.memory_space<vmem>>
      %dma_start3A_850 = tpu.memref_slice %arg6[%multiple_of3A_750] : memref<6400xi32, #tpu.memory_space<vmem>> -> memref<128xi32, #tpu.memory_space<vmem>>
      %dma_start3A_851 = arith.constant 0 : i32
      %dma_start3A_852 = tpu.memref_slice %arg10[%dma_start3A_851] : memref<1000000xf32, #tpu.memory_space<vmem_shared>> -> memref<1000000xf32, #tpu.memory_space<vmem_shared>>
      tpu.enqueue_indirect_dma source(%dma_start3A_852 : memref<1000000xf32, #tpu.memory_space<vmem_shared>>) target(%dma_start3A_849 : memref<128xf32, #tpu.memory_space<vmem>>) offsets(%dma_start3A_850 : memref<128xi32, #tpu.memory_space<vmem>>) semaphore(%arg12 : memref<!tpu.dma_semaphore, #tpu.memory_space<semaphore_mem>>)
      %dma_start3A_853 = tpu.memref_slice %arg7[%multiple_of3A_755] : memref<6400xf32, #tpu.memory_space<vmem>> -> memref<128xf32, #tpu.memory_space<vmem>>
      %dma_start3A_854 = tpu.memref_slice %arg6[%multiple_of3A_755] : memref<6400xi32, #tpu.memory_space<vmem>> -> memref<128xi32, #tpu.memory_space<vmem>>
      %dma_start3A_855 = arith.constant 0 : i32
      %dma_start3A_856 = tpu.memref_slice %arg10[%dma_start3A_855] : memref<1000000xf32, #tpu.memory_space<vmem_shared>> -> memref<1000000xf32, #tpu.memory_space<vmem_shared>>
      tpu.enqueue_indirect_dma source(%dma_start3A_856 : memref<1000000xf32, #tpu.memory_space<vmem_shared>>) target(%dma_start3A_853 : memref<128xf32, #tpu.memory_space<vmem>>) offsets(%dma_start3A_854 : memref<128xi32, #tpu.memory_space<vmem>>) semaphore(%arg12 : memref<!tpu.dma_semaphore, #tpu.memory_space<semaphore_mem>>)
      %dma_start3A_857 = tpu.memref_slice %arg7[%multiple_of3A_760] : memref<6400xf32, #tpu.memory_space<vmem>> -> memref<128xf32, #tpu.memory_space<vmem>>
      %dma_start3A_858 = tpu.memref_slice %arg6[%multiple_of3A_760] : memref<6400xi32, #tpu.memory_space<vmem>> -> memref<128xi32, #tpu.memory_space<vmem>>
      %dma_start3A_859 = arith.constant 0 : i32
      %dma_start3A_860 = tpu.memref_slice %arg10[%dma_start3A_859] : memref<1000000xf32, #tpu.memory_space<vmem_shared>> -> memref<1000000xf32, #tpu.memory_space<vmem_shared>>
      tpu.enqueue_indirect_dma source(%dma_start3A_860 : memref<1000000xf32, #tpu.memory_space<vmem_shared>>) target(%dma_start3A_857 : memref<128xf32, #tpu.memory_space<vmem>>) offsets(%dma_start3A_858 : memref<128xi32, #tpu.memory_space<vmem>>) semaphore(%arg12 : memref<!tpu.dma_semaphore, #tpu.memory_space<semaphore_mem>>)
      %mul3A_861 = arith.constant 3200 : i32
      %mul3A_862 = arith.muli %select_n3A_380, %mul3A_861 : i32
      %add3A_863 = vector.broadcast %mul3A_862 : i32 to vector<16xi32>
      %add3A_864 = arith.addi %add3A_863, %mul3A_4 : vector<16xi32>
      %mul3A_865 = arith.constant 0.000000e+00 : f32
      %mul3A_866 = vector.broadcast %mul3A_865 : f32 to vector<16xf32>
      %mul3A_867 = arith.mulf %get3A_1, %mul3A_866 : vector<16xf32>
      %scan3A_868 = arith.constant 0 : i32
      %scan3A_869 = arith.constant 25 : i32
      %scan3A_870 = arith.addi %scan3A_868, %scan3A_869 : i32
      %scan3A_871 = arith.constant 1 : i32
      %scan3A_872:2 = scf.for %scan3A_896 = %scan3A_868 to %scan3A_870 step %scan3A_871 iter_args(%scan3A_897 = %get3A_1, %scan3A_898 = %mul3A_867) -> (vector<16xf32>, vector<16xf32>)  : i32 {
        %mul3A_899 = arith.constant 8 : i32
        %mul3A_900 = arith.muli %scan3A_896, %mul3A_899 : i32
        %add3A_901 = vector.broadcast %mul3A_900 : i32 to vector<16xi32>
        %add3A_902 = arith.addi %add3A_864, %add3A_901 : vector<16xi32>
        %add3A_903 = arith.constant 0 : i32
        %add3A_904 = vector.broadcast %add3A_903 : i32 to vector<16xi32>
        %add3A_905 = arith.addi %add3A_902, %add3A_904 : vector<16xi32>
        %gather3A = tpu.vector_load_idx %arg7[%add3A_905] : memref<6400xf32, #tpu.memory_space<vmem>>[vector<16xi32>], vector<16xf32>,
        %add3A_906 = arith.addf %scan3A_897, %gather3A : vector<16xf32>
        %add3A_907 = arith.constant 0 : i32
        %add3A_908 = vector.broadcast %add3A_907 : i32 to vector<16xi32>
        %add3A_909 = arith.addi %add3A_902, %add3A_908 : vector<16xi32>
        %add3A_910 = arith.constant 1 : i32
        %add3A_911 = vector.broadcast %add3A_910 : i32 to vector<16xi32>
        %add3A_912 = arith.addi %add3A_909, %add3A_911 : vector<16xi32>
        %gather3A_913 = tpu.vector_load_idx %arg7[%add3A_912] : memref<6400xf32, #tpu.memory_space<vmem>>[vector<16xi32>], vector<16xf32>,
        %add3A_914 = arith.addf %scan3A_898, %gather3A_913 : vector<16xf32>
        %add3A_915 = arith.constant 2 : i32
        %add3A_916 = vector.broadcast %add3A_915 : i32 to vector<16xi32>
        %add3A_917 = arith.addi %add3A_902, %add3A_916 : vector<16xi32>
        %gather3A_918 = tpu.vector_load_idx %arg7[%add3A_917] : memref<6400xf32, #tpu.memory_space<vmem>>[vector<16xi32>], vector<16xf32>,
        %add3A_919 = arith.addf %add3A_906, %gather3A_918 : vector<16xf32>
        %add3A_920 = arith.constant 2 : i32
        %add3A_921 = vector.broadcast %add3A_920 : i32 to vector<16xi32>
        %add3A_922 = arith.addi %add3A_902, %add3A_921 : vector<16xi32>
        %add3A_923 = arith.constant 1 : i32
        %add3A_924 = vector.broadcast %add3A_923 : i32 to vector<16xi32>
        %add3A_925 = arith.addi %add3A_922, %add3A_924 : vector<16xi32>
        %gather3A_926 = tpu.vector_load_idx %arg7[%add3A_925] : memref<6400xf32, #tpu.memory_space<vmem>>[vector<16xi32>], vector<16xf32>,
        %add3A_927 = arith.addf %add3A_914, %gather3A_926 : vector<16xf32>
        %add3A_928 = arith.constant 4 : i32
        %add3A_929 = vector.broadcast %add3A_928 : i32 to vector<16xi32>
        %add3A_930 = arith.addi %add3A_902, %add3A_929 : vector<16xi32>
        %gather3A_931 = tpu.vector_load_idx %arg7[%add3A_930] : memref<6400xf32, #tpu.memory_space<vmem>>[vector<16xi32>], vector<16xf32>,
        %add3A_932 = arith.addf %add3A_919, %gather3A_931 : vector<16xf32>
        %add3A_933 = arith.constant 4 : i32
        %add3A_934 = vector.broadcast %add3A_933 : i32 to vector<16xi32>
        %add3A_935 = arith.addi %add3A_902, %add3A_934 : vector<16xi32>
        %add3A_936 = arith.constant 1 : i32
        %add3A_937 = vector.broadcast %add3A_936 : i32 to vector<16xi32>
        %add3A_938 = arith.addi %add3A_935, %add3A_937 : vector<16xi32>
        %gather3A_939 = tpu.vector_load_idx %arg7[%add3A_938] : memref<6400xf32, #tpu.memory_space<vmem>>[vector<16xi32>], vector<16xf32>,
        %add3A_940 = arith.addf %add3A_927, %gather3A_939 : vector<16xf32>
        %add3A_941 = arith.constant 6 : i32
        %add3A_942 = vector.broadcast %add3A_941 : i32 to vector<16xi32>
        %add3A_943 = arith.addi %add3A_902, %add3A_942 : vector<16xi32>
        %gather3A_944 = tpu.vector_load_idx %arg7[%add3A_943] : memref<6400xf32, #tpu.memory_space<vmem>>[vector<16xi32>], vector<16xf32>,
        %add3A_945 = arith.addf %add3A_932, %gather3A_944 : vector<16xf32>
        %add3A_946 = arith.constant 6 : i32
        %add3A_947 = vector.broadcast %add3A_946 : i32 to vector<16xi32>
        %add3A_948 = arith.addi %add3A_902, %add3A_947 : vector<16xi32>
        %add3A_949 = arith.constant 1 : i32
        %add3A_950 = vector.broadcast %add3A_949 : i32 to vector<16xi32>
        %add3A_951 = arith.addi %add3A_948, %add3A_950 : vector<16xi32>
        %gather3A_952 = tpu.vector_load_idx %arg7[%add3A_951] : memref<6400xf32, #tpu.memory_space<vmem>>[vector<16xi32>], vector<16xf32>,
        %add3A_953 = arith.addf %add3A_940, %gather3A_952 : vector<16xf32>
        scf.yield %add3A_945, %add3A_953 : vector<16xf32>, vector<16xf32>
      }
      %scan3A_873 = arith.constant 25 : i32
      %add3A_874 = arith.addf %scan3A_872#0, %scan3A_872#1 : vector<16xf32>
      %neg3A = arith.constant 0.000000e+00 : f32
      %neg3A_875 = vector.broadcast %neg3A : f32 to vector<16xf32>
      %neg3A_876 = arith.subf %neg3A_875, %add3A_874 : vector<16xf32>
      %exp3A = math.exp %neg3A_876 : vector<16xf32>
      %add3A_877 = arith.constant 1.000000e+00 : f32
      %add3A_878 = vector.broadcast %add3A_877 : f32 to vector<16xf32>
      %add3A_879 = arith.addf %add3A_878, %exp3A : vector<16xf32>
      %div3A = arith.constant 1.000000e+00 : f32
      %div3A_880 = vector.broadcast %div3A : f32 to vector<16xf32>
      %div3A_881 = arith.divf %div3A_880, %add3A_879 : vector<16xf32>
      %exp3A_882 = math.exp %add3A_874 : vector<16xf32>
      %add3A_883 = arith.constant 1.000000e+00 : f32
      %add3A_884 = vector.broadcast %add3A_883 : f32 to vector<16xf32>
      %add3A_885 = arith.addf %add3A_884, %exp3A_882 : vector<16xf32>
      %div3A_886 = arith.constant 1.000000e+00 : f32
      %div3A_887 = vector.broadcast %div3A_886 : f32 to vector<16xf32>
      %div3A_888 = arith.divf %div3A_887, %add3A_885 : vector<16xf32>
      %mul3A_889 = arith.constant 32 : i32
      %mul3A_890 = arith.muli %add3A_370, %mul3A_889 : i32
      %add3A_891 = vector.broadcast %mul3A_890 : i32 to vector<16xi32>
      %add3A_892 = arith.addi %add3A_891, %mul3A_8 : vector<16xi32>
      tpu.vector_store_idx %arg8[%add3A_892], %div3A_881 : memref<1024xf32, #tpu.memory_space<vmem>>[vector<16xi32>], vector<16xf32>,
      %add3A_893 = arith.constant 1 : i32
      %add3A_894 = vector.broadcast %add3A_893 : i32 to vector<16xi32>
      %add3A_895 = arith.addi %add3A_892, %add3A_894 : vector<16xi32>
      tpu.vector_store_idx %arg8[%add3A_895], %div3A_888 : memref<1024xf32, #tpu.memory_space<vmem>>[vector<16xi32>], vector<16xf32>,
    }
    %scan3A_200 = arith.constant 32 : i32
    %multiple_of3A_201 = arith.constant 0 : i32
    %multiple_of3A_202 = tpu.assume_multiple %multiple_of3A_201, 128 : i32
    %multiple_of3A_203 = arith.constant 128 : i32
    %multiple_of3A_204 = tpu.assume_multiple %multiple_of3A_203, 128 : i32
    %multiple_of3A_205 = arith.constant 256 : i32
    %multiple_of3A_206 = tpu.assume_multiple %multiple_of3A_205, 128 : i32
    %multiple_of3A_207 = arith.constant 384 : i32
    %multiple_of3A_208 = tpu.assume_multiple %multiple_of3A_207, 128 : i32
    %multiple_of3A_209 = arith.constant 512 : i32
    %multiple_of3A_210 = tpu.assume_multiple %multiple_of3A_209, 128 : i32
    %multiple_of3A_211 = arith.constant 640 : i32
    %multiple_of3A_212 = tpu.assume_multiple %multiple_of3A_211, 128 : i32
    %multiple_of3A_213 = arith.constant 768 : i32
    %multiple_of3A_214 = tpu.assume_multiple %multiple_of3A_213, 128 : i32
    %multiple_of3A_215 = arith.constant 896 : i32
    %multiple_of3A_216 = tpu.assume_multiple %multiple_of3A_215, 128 : i32
    %multiple_of3A_217 = arith.constant 1024 : i32
    %multiple_of3A_218 = tpu.assume_multiple %multiple_of3A_217, 128 : i32
    %multiple_of3A_219 = arith.constant 1152 : i32
    %multiple_of3A_220 = tpu.assume_multiple %multiple_of3A_219, 128 : i32
    %multiple_of3A_221 = arith.constant 1280 : i32
    %multiple_of3A_222 = tpu.assume_multiple %multiple_of3A_221, 128 : i32
    %multiple_of3A_223 = arith.constant 1408 : i32
    %multiple_of3A_224 = tpu.assume_multiple %multiple_of3A_223, 128 : i32
    %multiple_of3A_225 = arith.constant 1536 : i32
    %multiple_of3A_226 = tpu.assume_multiple %multiple_of3A_225, 128 : i32
    %multiple_of3A_227 = arith.constant 1664 : i32
    %multiple_of3A_228 = tpu.assume_multiple %multiple_of3A_227, 128 : i32
    %multiple_of3A_229 = arith.constant 1792 : i32
    %multiple_of3A_230 = tpu.assume_multiple %multiple_of3A_229, 128 : i32
    %multiple_of3A_231 = arith.constant 1920 : i32
    %multiple_of3A_232 = tpu.assume_multiple %multiple_of3A_231, 128 : i32
    %multiple_of3A_233 = arith.constant 2048 : i32
    %multiple_of3A_234 = tpu.assume_multiple %multiple_of3A_233, 128 : i32
    %multiple_of3A_235 = arith.constant 2176 : i32
    %multiple_of3A_236 = tpu.assume_multiple %multiple_of3A_235, 128 : i32
    %multiple_of3A_237 = arith.constant 2304 : i32
    %multiple_of3A_238 = tpu.assume_multiple %multiple_of3A_237, 128 : i32
    %multiple_of3A_239 = arith.constant 2432 : i32
    %multiple_of3A_240 = tpu.assume_multiple %multiple_of3A_239, 128 : i32
    %multiple_of3A_241 = arith.constant 2560 : i32
    %multiple_of3A_242 = tpu.assume_multiple %multiple_of3A_241, 128 : i32
    %multiple_of3A_243 = arith.constant 2688 : i32
    %multiple_of3A_244 = tpu.assume_multiple %multiple_of3A_243, 128 : i32
    %multiple_of3A_245 = arith.constant 2816 : i32
    %multiple_of3A_246 = tpu.assume_multiple %multiple_of3A_245, 128 : i32
    %multiple_of3A_247 = arith.constant 2944 : i32
    %multiple_of3A_248 = tpu.assume_multiple %multiple_of3A_247, 128 : i32
    %multiple_of3A_249 = arith.constant 3072 : i32
    %multiple_of3A_250 = tpu.assume_multiple %multiple_of3A_249, 128 : i32
    %dma_wait3A_251 = tpu.memref_slice %arg7[%multiple_of3A_202] : memref<6400xf32, #tpu.memory_space<vmem>> -> memref<128xf32, #tpu.memory_space<vmem>>
    %dma_wait3A_252 = tpu.memref_slice %arg6[%multiple_of3A_202] : memref<6400xi32, #tpu.memory_space<vmem>> -> memref<128xi32, #tpu.memory_space<vmem>>
    %dma_wait3A_253 = arith.constant 0 : i32
    %dma_wait3A_254 = tpu.memref_slice %arg10[%dma_wait3A_253] : memref<1000000xf32, #tpu.memory_space<vmem_shared>> -> memref<1000000xf32, #tpu.memory_space<vmem_shared>>
    tpu.wait_indirect_dma semaphore(%arg12 : memref<!tpu.dma_semaphore, #tpu.memory_space<semaphore_mem>>) src(%dma_wait3A_254 : memref<1000000xf32, #tpu.memory_space<vmem_shared>>) dst(%dma_wait3A_251 : memref<128xf32, #tpu.memory_space<vmem>>)
    %dma_wait3A_255 = tpu.memref_slice %arg7[%multiple_of3A_204] : memref<6400xf32, #tpu.memory_space<vmem>> -> memref<128xf32, #tpu.memory_space<vmem>>
    %dma_wait3A_256 = tpu.memref_slice %arg6[%multiple_of3A_204] : memref<6400xi32, #tpu.memory_space<vmem>> -> memref<128xi32, #tpu.memory_space<vmem>>
    %dma_wait3A_257 = arith.constant 0 : i32
    %dma_wait3A_258 = tpu.memref_slice %arg10[%dma_wait3A_257] : memref<1000000xf32, #tpu.memory_space<vmem_shared>> -> memref<1000000xf32, #tpu.memory_space<vmem_shared>>
    tpu.wait_indirect_dma semaphore(%arg12 : memref<!tpu.dma_semaphore, #tpu.memory_space<semaphore_mem>>) src(%dma_wait3A_258 : memref<1000000xf32, #tpu.memory_space<vmem_shared>>) dst(%dma_wait3A_255 : memref<128xf32, #tpu.memory_space<vmem>>)
    %dma_wait3A_259 = tpu.memref_slice %arg7[%multiple_of3A_206] : memref<6400xf32, #tpu.memory_space<vmem>> -> memref<128xf32, #tpu.memory_space<vmem>>
    %dma_wait3A_260 = tpu.memref_slice %arg6[%multiple_of3A_206] : memref<6400xi32, #tpu.memory_space<vmem>> -> memref<128xi32, #tpu.memory_space<vmem>>
    %dma_wait3A_261 = arith.constant 0 : i32
    %dma_wait3A_262 = tpu.memref_slice %arg10[%dma_wait3A_261] : memref<1000000xf32, #tpu.memory_space<vmem_shared>> -> memref<1000000xf32, #tpu.memory_space<vmem_shared>>
    tpu.wait_indirect_dma semaphore(%arg12 : memref<!tpu.dma_semaphore, #tpu.memory_space<semaphore_mem>>) src(%dma_wait3A_262 : memref<1000000xf32, #tpu.memory_space<vmem_shared>>) dst(%dma_wait3A_259 : memref<128xf32, #tpu.memory_space<vmem>>)
    %dma_wait3A_263 = tpu.memref_slice %arg7[%multiple_of3A_208] : memref<6400xf32, #tpu.memory_space<vmem>> -> memref<128xf32, #tpu.memory_space<vmem>>
    %dma_wait3A_264 = tpu.memref_slice %arg6[%multiple_of3A_208] : memref<6400xi32, #tpu.memory_space<vmem>> -> memref<128xi32, #tpu.memory_space<vmem>>
    %dma_wait3A_265 = arith.constant 0 : i32
    %dma_wait3A_266 = tpu.memref_slice %arg10[%dma_wait3A_265] : memref<1000000xf32, #tpu.memory_space<vmem_shared>> -> memref<1000000xf32, #tpu.memory_space<vmem_shared>>
    tpu.wait_indirect_dma semaphore(%arg12 : memref<!tpu.dma_semaphore, #tpu.memory_space<semaphore_mem>>) src(%dma_wait3A_266 : memref<1000000xf32, #tpu.memory_space<vmem_shared>>) dst(%dma_wait3A_263 : memref<128xf32, #tpu.memory_space<vmem>>)
    %dma_wait3A_267 = tpu.memref_slice %arg7[%multiple_of3A_210] : memref<6400xf32, #tpu.memory_space<vmem>> -> memref<128xf32, #tpu.memory_space<vmem>>
    %dma_wait3A_268 = tpu.memref_slice %arg6[%multiple_of3A_210] : memref<6400xi32, #tpu.memory_space<vmem>> -> memref<128xi32, #tpu.memory_space<vmem>>
    %dma_wait3A_269 = arith.constant 0 : i32
    %dma_wait3A_270 = tpu.memref_slice %arg10[%dma_wait3A_269] : memref<1000000xf32, #tpu.memory_space<vmem_shared>> -> memref<1000000xf32, #tpu.memory_space<vmem_shared>>
    tpu.wait_indirect_dma semaphore(%arg12 : memref<!tpu.dma_semaphore, #tpu.memory_space<semaphore_mem>>) src(%dma_wait3A_270 : memref<1000000xf32, #tpu.memory_space<vmem_shared>>) dst(%dma_wait3A_267 : memref<128xf32, #tpu.memory_space<vmem>>)
    %dma_wait3A_271 = tpu.memref_slice %arg7[%multiple_of3A_212] : memref<6400xf32, #tpu.memory_space<vmem>> -> memref<128xf32, #tpu.memory_space<vmem>>
    %dma_wait3A_272 = tpu.memref_slice %arg6[%multiple_of3A_212] : memref<6400xi32, #tpu.memory_space<vmem>> -> memref<128xi32, #tpu.memory_space<vmem>>
    %dma_wait3A_273 = arith.constant 0 : i32
    %dma_wait3A_274 = tpu.memref_slice %arg10[%dma_wait3A_273] : memref<1000000xf32, #tpu.memory_space<vmem_shared>> -> memref<1000000xf32, #tpu.memory_space<vmem_shared>>
    tpu.wait_indirect_dma semaphore(%arg12 : memref<!tpu.dma_semaphore, #tpu.memory_space<semaphore_mem>>) src(%dma_wait3A_274 : memref<1000000xf32, #tpu.memory_space<vmem_shared>>) dst(%dma_wait3A_271 : memref<128xf32, #tpu.memory_space<vmem>>)
    %dma_wait3A_275 = tpu.memref_slice %arg7[%multiple_of3A_214] : memref<6400xf32, #tpu.memory_space<vmem>> -> memref<128xf32, #tpu.memory_space<vmem>>
    %dma_wait3A_276 = tpu.memref_slice %arg6[%multiple_of3A_214] : memref<6400xi32, #tpu.memory_space<vmem>> -> memref<128xi32, #tpu.memory_space<vmem>>
    %dma_wait3A_277 = arith.constant 0 : i32
    %dma_wait3A_278 = tpu.memref_slice %arg10[%dma_wait3A_277] : memref<1000000xf32, #tpu.memory_space<vmem_shared>> -> memref<1000000xf32, #tpu.memory_space<vmem_shared>>
    tpu.wait_indirect_dma semaphore(%arg12 : memref<!tpu.dma_semaphore, #tpu.memory_space<semaphore_mem>>) src(%dma_wait3A_278 : memref<1000000xf32, #tpu.memory_space<vmem_shared>>) dst(%dma_wait3A_275 : memref<128xf32, #tpu.memory_space<vmem>>)
    %dma_wait3A_279 = tpu.memref_slice %arg7[%multiple_of3A_216] : memref<6400xf32, #tpu.memory_space<vmem>> -> memref<128xf32, #tpu.memory_space<vmem>>
    %dma_wait3A_280 = tpu.memref_slice %arg6[%multiple_of3A_216] : memref<6400xi32, #tpu.memory_space<vmem>> -> memref<128xi32, #tpu.memory_space<vmem>>
    %dma_wait3A_281 = arith.constant 0 : i32
    %dma_wait3A_282 = tpu.memref_slice %arg10[%dma_wait3A_281] : memref<1000000xf32, #tpu.memory_space<vmem_shared>> -> memref<1000000xf32, #tpu.memory_space<vmem_shared>>
    tpu.wait_indirect_dma semaphore(%arg12 : memref<!tpu.dma_semaphore, #tpu.memory_space<semaphore_mem>>) src(%dma_wait3A_282 : memref<1000000xf32, #tpu.memory_space<vmem_shared>>) dst(%dma_wait3A_279 : memref<128xf32, #tpu.memory_space<vmem>>)
    %dma_wait3A_283 = tpu.memref_slice %arg7[%multiple_of3A_218] : memref<6400xf32, #tpu.memory_space<vmem>> -> memref<128xf32, #tpu.memory_space<vmem>>
    %dma_wait3A_284 = tpu.memref_slice %arg6[%multiple_of3A_218] : memref<6400xi32, #tpu.memory_space<vmem>> -> memref<128xi32, #tpu.memory_space<vmem>>
    %dma_wait3A_285 = arith.constant 0 : i32
    %dma_wait3A_286 = tpu.memref_slice %arg10[%dma_wait3A_285] : memref<1000000xf32, #tpu.memory_space<vmem_shared>> -> memref<1000000xf32, #tpu.memory_space<vmem_shared>>
    tpu.wait_indirect_dma semaphore(%arg12 : memref<!tpu.dma_semaphore, #tpu.memory_space<semaphore_mem>>) src(%dma_wait3A_286 : memref<1000000xf32, #tpu.memory_space<vmem_shared>>) dst(%dma_wait3A_283 : memref<128xf32, #tpu.memory_space<vmem>>)
    %dma_wait3A_287 = tpu.memref_slice %arg7[%multiple_of3A_220] : memref<6400xf32, #tpu.memory_space<vmem>> -> memref<128xf32, #tpu.memory_space<vmem>>
    %dma_wait3A_288 = tpu.memref_slice %arg6[%multiple_of3A_220] : memref<6400xi32, #tpu.memory_space<vmem>> -> memref<128xi32, #tpu.memory_space<vmem>>
    %dma_wait3A_289 = arith.constant 0 : i32
    %dma_wait3A_290 = tpu.memref_slice %arg10[%dma_wait3A_289] : memref<1000000xf32, #tpu.memory_space<vmem_shared>> -> memref<1000000xf32, #tpu.memory_space<vmem_shared>>
    tpu.wait_indirect_dma semaphore(%arg12 : memref<!tpu.dma_semaphore, #tpu.memory_space<semaphore_mem>>) src(%dma_wait3A_290 : memref<1000000xf32, #tpu.memory_space<vmem_shared>>) dst(%dma_wait3A_287 : memref<128xf32, #tpu.memory_space<vmem>>)
    %dma_wait3A_291 = tpu.memref_slice %arg7[%multiple_of3A_222] : memref<6400xf32, #tpu.memory_space<vmem>> -> memref<128xf32, #tpu.memory_space<vmem>>
    %dma_wait3A_292 = tpu.memref_slice %arg6[%multiple_of3A_222] : memref<6400xi32, #tpu.memory_space<vmem>> -> memref<128xi32, #tpu.memory_space<vmem>>
    %dma_wait3A_293 = arith.constant 0 : i32
    %dma_wait3A_294 = tpu.memref_slice %arg10[%dma_wait3A_293] : memref<1000000xf32, #tpu.memory_space<vmem_shared>> -> memref<1000000xf32, #tpu.memory_space<vmem_shared>>
    tpu.wait_indirect_dma semaphore(%arg12 : memref<!tpu.dma_semaphore, #tpu.memory_space<semaphore_mem>>) src(%dma_wait3A_294 : memref<1000000xf32, #tpu.memory_space<vmem_shared>>) dst(%dma_wait3A_291 : memref<128xf32, #tpu.memory_space<vmem>>)
    %dma_wait3A_295 = tpu.memref_slice %arg7[%multiple_of3A_224] : memref<6400xf32, #tpu.memory_space<vmem>> -> memref<128xf32, #tpu.memory_space<vmem>>
    %dma_wait3A_296 = tpu.memref_slice %arg6[%multiple_of3A_224] : memref<6400xi32, #tpu.memory_space<vmem>> -> memref<128xi32, #tpu.memory_space<vmem>>
    %dma_wait3A_297 = arith.constant 0 : i32
    %dma_wait3A_298 = tpu.memref_slice %arg10[%dma_wait3A_297] : memref<1000000xf32, #tpu.memory_space<vmem_shared>> -> memref<1000000xf32, #tpu.memory_space<vmem_shared>>
    tpu.wait_indirect_dma semaphore(%arg12 : memref<!tpu.dma_semaphore, #tpu.memory_space<semaphore_mem>>) src(%dma_wait3A_298 : memref<1000000xf32, #tpu.memory_space<vmem_shared>>) dst(%dma_wait3A_295 : memref<128xf32, #tpu.memory_space<vmem>>)
    %dma_wait3A_299 = tpu.memref_slice %arg7[%multiple_of3A_226] : memref<6400xf32, #tpu.memory_space<vmem>> -> memref<128xf32, #tpu.memory_space<vmem>>
    %dma_wait3A_300 = tpu.memref_slice %arg6[%multiple_of3A_226] : memref<6400xi32, #tpu.memory_space<vmem>> -> memref<128xi32, #tpu.memory_space<vmem>>
    %dma_wait3A_301 = arith.constant 0 : i32
    %dma_wait3A_302 = tpu.memref_slice %arg10[%dma_wait3A_301] : memref<1000000xf32, #tpu.memory_space<vmem_shared>> -> memref<1000000xf32, #tpu.memory_space<vmem_shared>>
    tpu.wait_indirect_dma semaphore(%arg12 : memref<!tpu.dma_semaphore, #tpu.memory_space<semaphore_mem>>) src(%dma_wait3A_302 : memref<1000000xf32, #tpu.memory_space<vmem_shared>>) dst(%dma_wait3A_299 : memref<128xf32, #tpu.memory_space<vmem>>)
    %dma_wait3A_303 = tpu.memref_slice %arg7[%multiple_of3A_228] : memref<6400xf32, #tpu.memory_space<vmem>> -> memref<128xf32, #tpu.memory_space<vmem>>
    %dma_wait3A_304 = tpu.memref_slice %arg6[%multiple_of3A_228] : memref<6400xi32, #tpu.memory_space<vmem>> -> memref<128xi32, #tpu.memory_space<vmem>>
    %dma_wait3A_305 = arith.constant 0 : i32
    %dma_wait3A_306 = tpu.memref_slice %arg10[%dma_wait3A_305] : memref<1000000xf32, #tpu.memory_space<vmem_shared>> -> memref<1000000xf32, #tpu.memory_space<vmem_shared>>
    tpu.wait_indirect_dma semaphore(%arg12 : memref<!tpu.dma_semaphore, #tpu.memory_space<semaphore_mem>>) src(%dma_wait3A_306 : memref<1000000xf32, #tpu.memory_space<vmem_shared>>) dst(%dma_wait3A_303 : memref<128xf32, #tpu.memory_space<vmem>>)
    %dma_wait3A_307 = tpu.memref_slice %arg7[%multiple_of3A_230] : memref<6400xf32, #tpu.memory_space<vmem>> -> memref<128xf32, #tpu.memory_space<vmem>>
    %dma_wait3A_308 = tpu.memref_slice %arg6[%multiple_of3A_230] : memref<6400xi32, #tpu.memory_space<vmem>> -> memref<128xi32, #tpu.memory_space<vmem>>
    %dma_wait3A_309 = arith.constant 0 : i32
    %dma_wait3A_310 = tpu.memref_slice %arg10[%dma_wait3A_309] : memref<1000000xf32, #tpu.memory_space<vmem_shared>> -> memref<1000000xf32, #tpu.memory_space<vmem_shared>>
    tpu.wait_indirect_dma semaphore(%arg12 : memref<!tpu.dma_semaphore, #tpu.memory_space<semaphore_mem>>) src(%dma_wait3A_310 : memref<1000000xf32, #tpu.memory_space<vmem_shared>>) dst(%dma_wait3A_307 : memref<128xf32, #tpu.memory_space<vmem>>)
    %dma_wait3A_311 = tpu.memref_slice %arg7[%multiple_of3A_232] : memref<6400xf32, #tpu.memory_space<vmem>> -> memref<128xf32, #tpu.memory_space<vmem>>
    %dma_wait3A_312 = tpu.memref_slice %arg6[%multiple_of3A_232] : memref<6400xi32, #tpu.memory_space<vmem>> -> memref<128xi32, #tpu.memory_space<vmem>>
    %dma_wait3A_313 = arith.constant 0 : i32
    %dma_wait3A_314 = tpu.memref_slice %arg10[%dma_wait3A_313] : memref<1000000xf32, #tpu.memory_space<vmem_shared>> -> memref<1000000xf32, #tpu.memory_space<vmem_shared>>
    tpu.wait_indirect_dma semaphore(%arg12 : memref<!tpu.dma_semaphore, #tpu.memory_space<semaphore_mem>>) src(%dma_wait3A_314 : memref<1000000xf32, #tpu.memory_space<vmem_shared>>) dst(%dma_wait3A_311 : memref<128xf32, #tpu.memory_space<vmem>>)
    %dma_wait3A_315 = tpu.memref_slice %arg7[%multiple_of3A_234] : memref<6400xf32, #tpu.memory_space<vmem>> -> memref<128xf32, #tpu.memory_space<vmem>>
    %dma_wait3A_316 = tpu.memref_slice %arg6[%multiple_of3A_234] : memref<6400xi32, #tpu.memory_space<vmem>> -> memref<128xi32, #tpu.memory_space<vmem>>
    %dma_wait3A_317 = arith.constant 0 : i32
    %dma_wait3A_318 = tpu.memref_slice %arg10[%dma_wait3A_317] : memref<1000000xf32, #tpu.memory_space<vmem_shared>> -> memref<1000000xf32, #tpu.memory_space<vmem_shared>>
    tpu.wait_indirect_dma semaphore(%arg12 : memref<!tpu.dma_semaphore, #tpu.memory_space<semaphore_mem>>) src(%dma_wait3A_318 : memref<1000000xf32, #tpu.memory_space<vmem_shared>>) dst(%dma_wait3A_315 : memref<128xf32, #tpu.memory_space<vmem>>)
    %dma_wait3A_319 = tpu.memref_slice %arg7[%multiple_of3A_236] : memref<6400xf32, #tpu.memory_space<vmem>> -> memref<128xf32, #tpu.memory_space<vmem>>
    %dma_wait3A_320 = tpu.memref_slice %arg6[%multiple_of3A_236] : memref<6400xi32, #tpu.memory_space<vmem>> -> memref<128xi32, #tpu.memory_space<vmem>>
    %dma_wait3A_321 = arith.constant 0 : i32
    %dma_wait3A_322 = tpu.memref_slice %arg10[%dma_wait3A_321] : memref<1000000xf32, #tpu.memory_space<vmem_shared>> -> memref<1000000xf32, #tpu.memory_space<vmem_shared>>
    tpu.wait_indirect_dma semaphore(%arg12 : memref<!tpu.dma_semaphore, #tpu.memory_space<semaphore_mem>>) src(%dma_wait3A_322 : memref<1000000xf32, #tpu.memory_space<vmem_shared>>) dst(%dma_wait3A_319 : memref<128xf32, #tpu.memory_space<vmem>>)
    %dma_wait3A_323 = tpu.memref_slice %arg7[%multiple_of3A_238] : memref<6400xf32, #tpu.memory_space<vmem>> -> memref<128xf32, #tpu.memory_space<vmem>>
    %dma_wait3A_324 = tpu.memref_slice %arg6[%multiple_of3A_238] : memref<6400xi32, #tpu.memory_space<vmem>> -> memref<128xi32, #tpu.memory_space<vmem>>
    %dma_wait3A_325 = arith.constant 0 : i32
    %dma_wait3A_326 = tpu.memref_slice %arg10[%dma_wait3A_325] : memref<1000000xf32, #tpu.memory_space<vmem_shared>> -> memref<1000000xf32, #tpu.memory_space<vmem_shared>>
    tpu.wait_indirect_dma semaphore(%arg12 : memref<!tpu.dma_semaphore, #tpu.memory_space<semaphore_mem>>) src(%dma_wait3A_326 : memref<1000000xf32, #tpu.memory_space<vmem_shared>>) dst(%dma_wait3A_323 : memref<128xf32, #tpu.memory_space<vmem>>)
    %dma_wait3A_327 = tpu.memref_slice %arg7[%multiple_of3A_240] : memref<6400xf32, #tpu.memory_space<vmem>> -> memref<128xf32, #tpu.memory_space<vmem>>
    %dma_wait3A_328 = tpu.memref_slice %arg6[%multiple_of3A_240] : memref<6400xi32, #tpu.memory_space<vmem>> -> memref<128xi32, #tpu.memory_space<vmem>>
    %dma_wait3A_329 = arith.constant 0 : i32
    %dma_wait3A_330 = tpu.memref_slice %arg10[%dma_wait3A_329] : memref<1000000xf32, #tpu.memory_space<vmem_shared>> -> memref<1000000xf32, #tpu.memory_space<vmem_shared>>
    tpu.wait_indirect_dma semaphore(%arg12 : memref<!tpu.dma_semaphore, #tpu.memory_space<semaphore_mem>>) src(%dma_wait3A_330 : memref<1000000xf32, #tpu.memory_space<vmem_shared>>) dst(%dma_wait3A_327 : memref<128xf32, #tpu.memory_space<vmem>>)
    %dma_wait3A_331 = tpu.memref_slice %arg7[%multiple_of3A_242] : memref<6400xf32, #tpu.memory_space<vmem>> -> memref<128xf32, #tpu.memory_space<vmem>>
    %dma_wait3A_332 = tpu.memref_slice %arg6[%multiple_of3A_242] : memref<6400xi32, #tpu.memory_space<vmem>> -> memref<128xi32, #tpu.memory_space<vmem>>
    %dma_wait3A_333 = arith.constant 0 : i32
    %dma_wait3A_334 = tpu.memref_slice %arg10[%dma_wait3A_333] : memref<1000000xf32, #tpu.memory_space<vmem_shared>> -> memref<1000000xf32, #tpu.memory_space<vmem_shared>>
    tpu.wait_indirect_dma semaphore(%arg12 : memref<!tpu.dma_semaphore, #tpu.memory_space<semaphore_mem>>) src(%dma_wait3A_334 : memref<1000000xf32, #tpu.memory_space<vmem_shared>>) dst(%dma_wait3A_331 : memref<128xf32, #tpu.memory_space<vmem>>)
    %dma_wait3A_335 = tpu.memref_slice %arg7[%multiple_of3A_244] : memref<6400xf32, #tpu.memory_space<vmem>> -> memref<128xf32, #tpu.memory_space<vmem>>
    %dma_wait3A_336 = tpu.memref_slice %arg6[%multiple_of3A_244] : memref<6400xi32, #tpu.memory_space<vmem>> -> memref<128xi32, #tpu.memory_space<vmem>>
    %dma_wait3A_337 = arith.constant 0 : i32
    %dma_wait3A_338 = tpu.memref_slice %arg10[%dma_wait3A_337] : memref<1000000xf32, #tpu.memory_space<vmem_shared>> -> memref<1000000xf32, #tpu.memory_space<vmem_shared>>
    tpu.wait_indirect_dma semaphore(%arg12 : memref<!tpu.dma_semaphore, #tpu.memory_space<semaphore_mem>>) src(%dma_wait3A_338 : memref<1000000xf32, #tpu.memory_space<vmem_shared>>) dst(%dma_wait3A_335 : memref<128xf32, #tpu.memory_space<vmem>>)
    %dma_wait3A_339 = tpu.memref_slice %arg7[%multiple_of3A_246] : memref<6400xf32, #tpu.memory_space<vmem>> -> memref<128xf32, #tpu.memory_space<vmem>>
    %dma_wait3A_340 = tpu.memref_slice %arg6[%multiple_of3A_246] : memref<6400xi32, #tpu.memory_space<vmem>> -> memref<128xi32, #tpu.memory_space<vmem>>
    %dma_wait3A_341 = arith.constant 0 : i32
    %dma_wait3A_342 = tpu.memref_slice %arg10[%dma_wait3A_341] : memref<1000000xf32, #tpu.memory_space<vmem_shared>> -> memref<1000000xf32, #tpu.memory_space<vmem_shared>>
    tpu.wait_indirect_dma semaphore(%arg12 : memref<!tpu.dma_semaphore, #tpu.memory_space<semaphore_mem>>) src(%dma_wait3A_342 : memref<1000000xf32, #tpu.memory_space<vmem_shared>>) dst(%dma_wait3A_339 : memref<128xf32, #tpu.memory_space<vmem>>)
    %dma_wait3A_343 = tpu.memref_slice %arg7[%multiple_of3A_248] : memref<6400xf32, #tpu.memory_space<vmem>> -> memref<128xf32, #tpu.memory_space<vmem>>
    %dma_wait3A_344 = tpu.memref_slice %arg6[%multiple_of3A_248] : memref<6400xi32, #tpu.memory_space<vmem>> -> memref<128xi32, #tpu.memory_space<vmem>>
    %dma_wait3A_345 = arith.constant 0 : i32
    %dma_wait3A_346 = tpu.memref_slice %arg10[%dma_wait3A_345] : memref<1000000xf32, #tpu.memory_space<vmem_shared>> -> memref<1000000xf32, #tpu.memory_space<vmem_shared>>
    tpu.wait_indirect_dma semaphore(%arg12 : memref<!tpu.dma_semaphore, #tpu.memory_space<semaphore_mem>>) src(%dma_wait3A_346 : memref<1000000xf32, #tpu.memory_space<vmem_shared>>) dst(%dma_wait3A_343 : memref<128xf32, #tpu.memory_space<vmem>>)
    %dma_wait3A_347 = tpu.memref_slice %arg7[%multiple_of3A_250] : memref<6400xf32, #tpu.memory_space<vmem>> -> memref<128xf32, #tpu.memory_space<vmem>>
    %dma_wait3A_348 = tpu.memref_slice %arg6[%multiple_of3A_250] : memref<6400xi32, #tpu.memory_space<vmem>> -> memref<128xi32, #tpu.memory_space<vmem>>
    %dma_wait3A_349 = arith.constant 0 : i32
    %dma_wait3A_350 = tpu.memref_slice %arg10[%dma_wait3A_349] : memref<1000000xf32, #tpu.memory_space<vmem_shared>> -> memref<1000000xf32, #tpu.memory_space<vmem_shared>>
    tpu.wait_indirect_dma semaphore(%arg12 : memref<!tpu.dma_semaphore, #tpu.memory_space<semaphore_mem>>) src(%dma_wait3A_350 : memref<1000000xf32, #tpu.memory_space<vmem_shared>>) dst(%dma_wait3A_347 : memref<128xf32, #tpu.memory_space<vmem>>)
    %mul3A_351 = arith.constant 32 : i32
    %mul3A_352 = arith.muli %add3A, %mul3A_351 : i32
    %add3A_353 = arith.constant 31 : i32
    %add3A_354 = arith.addi %mul3A_352, %add3A_353 : i32
    %mul3A_355 = arith.constant 3200 : i32
    %mul3A_356 = arith.muli %add3A_354, %mul3A_355 : i32
    %multiple_of3A_357 = tpu.assume_multiple %mul3A_356, 128 : i32
    %multiple_of3A_358 = arith.constant 3200 : i32
    %multiple_of3A_359 = tpu.assume_multiple %multiple_of3A_358, 128 : i32
    %dma_wait3A_360 = tpu.memref_slice %arg6[%multiple_of3A_359] : memref<6400xi32, #tpu.memory_space<vmem>> -> memref<3200xi32, #tpu.memory_space<vmem>>
    %dma_wait3A_361 = tpu.memref_slice %arg2[%multiple_of3A_357] : memref<3276800xi32, #tpu.memory_space<hbm>> -> memref<3200xi32, #tpu.memory_space<hbm>>
    %dma_wait3A_362 = tpu.memref_slice %arg6[%multiple_of3A_359] : memref<6400xi32, #tpu.memory_space<vmem>> -> memref<3200xi32, #tpu.memory_space<vmem>>
    %dma_wait3A_363 = tpu.memref_slice %arg2[%multiple_of3A_357] : memref<3276800xi32, #tpu.memory_space<hbm>> -> memref<3200xi32, #tpu.memory_space<hbm>>
    tpu.wait_dma2 semaphore(%arg11 : memref<!tpu.dma_semaphore, #tpu.memory_space<semaphore_mem>>) src(%dma_wait3A_363 : memref<3200xi32, #tpu.memory_space<hbm>>) dst(%dma_wait3A_362 : memref<3200xi32, #tpu.memory_space<vmem>>)
    %mul3A_364 = arith.constant 1024 : i32
    %mul3A_365 = arith.muli %add3A, %mul3A_364 : i32
    "tpu.region"() ({
      %run_scoped3A = tpu.sem_alloc : memref<!tpu.dma_semaphore, #tpu.memory_space<semaphore_mem>>
      %dma_start3A_366 = tpu.memref_slice %arg5[%mul3A_365] : memref<32768xf32, #tpu.memory_space<hbm>> -> memref<1024xf32, #tpu.memory_space<hbm>>
      %dma_start3A_367 = tpu.memref_slice %arg5[%mul3A_365] : memref<32768xf32, #tpu.memory_space<hbm>> -> memref<1024xf32, #tpu.memory_space<hbm>>
      tpu.enqueue_dma source(%arg8 : memref<1024xf32, #tpu.memory_space<vmem>>) target(%dma_start3A_367 : memref<1024xf32, #tpu.memory_space<hbm>>) target_semaphore(%run_scoped3A : memref<!tpu.dma_semaphore, #tpu.memory_space<semaphore_mem>>)
      %dma_wait3A_368 = tpu.memref_slice %arg5[%mul3A_365] : memref<32768xf32, #tpu.memory_space<hbm>> -> memref<1024xf32, #tpu.memory_space<hbm>>
      %dma_wait3A_369 = tpu.memref_slice %arg5[%mul3A_365] : memref<32768xf32, #tpu.memory_space<hbm>> -> memref<1024xf32, #tpu.memory_space<hbm>>
      tpu.wait_dma2 semaphore(%run_scoped3A : memref<!tpu.dma_semaphore, #tpu.memory_space<semaphore_mem>>) src(%arg8 : memref<1024xf32, #tpu.memory_space<vmem>>) dst(%dma_wait3A_369 : memref<1024xf32, #tpu.memory_space<hbm>>)
      tpu.yield
    }) : () -> ()
    return
  }
}

</mosaic_0001>

<sc_bundles>
// kernel: kernel.3.cloned.1.call-start
scs
__scs_entry_jumppad:
0x0: {  	(pc) =	sbr.rel $0x88, $3  }
0x1: {  	(tag) =	ssettag $0x0;
	lr =	simm.s32 $0x1  }
0x2: {  	[smem:$0x3F9E] =	sst lr;
	_ =	strace $0xD0000000  }
0x3: {  	_ = 	snop  }
0x4: {  	_ = 	snop  }
0x5: {  	_ = 	snop  }
0x6: {  	_ = 	snop  }
0x7: {  	_ = 	snop  }
__scs_overlays_trampoline_lowered:
0x8: {  	[smem:$0x3FAD] =	sst s0  }
0x9: {  	[smem:$0x3FAE] =	sst s1  }
0xa: {  	[smem:$0x3FAF] =	sst s2  }
0xb: {  	[smem:$0x3FB0] =	sst s3  }
0xc: {  	[smem:$0x3FB1] =	sst s4  }
0xd: {  	[smem:$0x3FB2] =	sst s5  }
0xe: {  	[smem:$0x3FB3] =	sst s6  }
0xf: {  	[smem:$0x3FB4] =	sst s7  }
0x10: {  	[smem:$0x3FB5] =	sst s8  }
0x11: {  	[smem:$0x3FB6] =	sst s9;
	s0 =	simm.s32 @!p0 $0x0  }
0x12: {  	s1 =	sld [smem:$0x3F9C];
	s0 =	simm.s32 @p0 $0x1  }
0x13: {  	[smem:$0x3FB7] =	sst s0;
	s0 =	simm.s32 @!p1 $0x0  }
0x14: {  	s2 =	sld [smem:$0x3F9B];
	s0 =	simm.s32 @p1 $0x1  }
0x15: {  	[smem:$0x3FB8] =	sst s0;
	s0 =	simm.s32 @!p2 $0x0  }
0x16: {  	s3 =	sld [smem:$0x3FDB];
	s0 =	simm.s32 @p2 $0x1  }
0x17: {  	s4 =	simm.s32 $0x1BF5;
	[smem:$0x3FBA] =	sst s0  }
0x18: {  	s0 =	sld [smem:$0x3F9D];
	_ =	swait.ge [sflag:s4], $0x0  }
0x19: {  	s7 =	sld [smem:$0x3F9E]  }
0x1a: {  	s8 =	sadd.s32 $0xFFFFE003, lr  }
0x1b: {  	s9 =	sadd.s32 $0xFFFFFEF7, lr;
	s5 =	simm.s32 $0xFFFFFFFF;
	p2 =	slt.u32 s8, $0xFFFFF086  }
0x1c: {  	p1 =	slt.u32 s9, $0xF7A;
	s5 =	simm.s32 @!p2 $0x0  }
0x1d: {  	s5 =	simm.s32 @p1 $0x1;
	p0 =	seq.s32 s7, s2  }
0x1e: {  	s7 =	smul.u32 @!p0 $0xF7A, s2;
	p2 =	seq.s32 @!p0 s5, $0x0  }
0x1f: {  	s9 =	smul.u32 $0xF7A, s1;
	s8 =	simm.s32 @!p0 $0x1BF5;
	p2 =	por !p2, p0  }
0x20: {  	[sflag:s8] =	ssyncset.s32 @!p0 $0xFFFFF086;
	s6 =	sadd.s32 @!p0 s3, s7;
	s7 =	simm.s32 @!p0 $0x108  }
0x21: {  	s3 =	sadd.s32 s3, s9;
	s6 =	sadd.s32 @!p0 $0x88, s6;
	s7 =	simm.s32 @p2 $0x1082  }
0x22: {  	[simem:s7], [sflag:s8] =	dma.local @!p0 [hbm:s6], $0xF7A  }
0x23: {  	s9 =	sor.u32 $0xD0000000, s2;
	s6 =	simm.s32 $0x108;
	_ =	swait.ge @!p0 [sflag:s8], $0x0  }
0x24: {  	s3 =	sadd.s32 $0x88, s3;
	s6 =	simm.s32 @!p1 $0x1082;
	[sflag:s4] =	ssyncset.s32 $0xFFFFF086  }
0x25: {  	[simem:s6], [sflag:s4] =	dma.local [hbm:s3], $0xF7A  }
0x26: {  	[smem:$0x3F9E] =	sst s1;
	(tag) =	ssettag s2;
	_ =	strace s9  }
0x27: {  	s1 =	sld [smem:$0x3FAE]  }
0x28: {  	s2 =	sld [smem:$0x3FAF]  }
0x29: {  	s4 =	sld [smem:$0x3FB1]  }
0x2a: {  	p0 =	seq.s32 s5, $0x0;
	s5 =	sld [smem:$0x3FB2]  }
0x2b: {  	s6 =	sld [smem:$0x3FB3]  }
0x2c: {  	s7 =	sld [smem:$0x3FB4]  }
0x2d: {  	s3 =	simm.s32 $0x108;
	s8 =	sld [smem:$0x3FB5]  }
0x2e: {  	s3 =	simm.s32 @!p0 $0x1082;
	s9 =	sld [smem:$0x3FB6]  }
0x2f: {  	lr =	sadd.s32 s0, s3;
	s0 =	sld [smem:$0x3FAD]  }
0x30: {  	s3 =	sld [smem:$0x3FB0]  }
0x31: {  	[smem:$0x3FB9] =	sst s10  }
0x32: {  	s10 =	sld [smem:$0x3FB7];
	_ =	sdelay $0x3  }
0x33: {  	p0 =	seq.s32 s10, $0x1;
	s10 =	sld [smem:$0x3FB9];
	_ =	sdelay $0x3  }
0x34: {  	[smem:$0x3FB9] =	sst s10  }
0x35: {  	s10 =	sld [smem:$0x3FB8];
	_ =	sdelay $0x3  }
0x36: {  	p1 =	seq.s32 s10, $0x1;
	s10 =	sld [smem:$0x3FB9];
	_ =	sdelay $0x3  }
0x37: {  	[smem:$0x3FB9] =	sst s10  }
0x38: {  	s10 =	sld [smem:$0x3FBA]  }
0x39: {  	_ = 	snop;
	(pc) =	sbr.ind lr, $3  }
0x3a: {  	_ = 	snop  }
0x3b: {  	_ = 	snop  }
0x3c: {  	p2 =	seq.s32 s10, $0x1;
	s10 =	sld [smem:$0x3FB9]  }
0x3d: {  	_ =	shalt  }
0x3e: {  	_ =	shalt  }
0x3f: {  	_ =	shalt  }
0x40: {  	_ =	shalt  }
0x41: {  	_ =	shalt  }
0x42: {  	_ =	shalt  }
0x43: {  	_ =	shalt  }
0x44: {  	_ =	shalt  }
0x45: {  	_ =	shalt  }
0x46: {  	_ =	shalt  }
0x47: {  	_ =	shalt  }
0x48: {  	_ =	shalt  }
0x49: {  	_ =	shalt  }
0x4a: {  	_ =	shalt  }
0x4b: {  	_ =	shalt  }
0x4c: {  	_ =	shalt  }
0x4d: {  	_ =	shalt  }
0x4e: {  	_ =	shalt  }
0x4f: {  	_ =	shalt  }
0x50: {  	_ =	shalt  }
0x51: {  	_ =	shalt  }
0x52: {  	_ =	shalt  }
0x53: {  	_ =	shalt  }
0x54: {  	_ =	shalt  }
0x55: {  	_ =	shalt  }
0x56: {  	_ =	shalt  }
0x57: {  	_ =	shalt  }
0x58: {  	_ =	shalt  }
0x59: {  	_ =	shalt  }
0x5a: {  	_ =	shalt  }
0x5b: {  	_ =	shalt  }
0x5c: {  	_ =	shalt  }
0x5d: {  	_ =	shalt  }
0x5e: {  	_ =	shalt  }
0x5f: {  	_ =	shalt  }
0x60: {  	_ =	shalt  }
0x61: {  	_ =	shalt  }
0x62: {  	_ =	shalt  }
0x63: {  	_ =	shalt  }
0x64: {  	_ =	shalt  }
0x65: {  	_ =	shalt  }
0x66: {  	_ =	shalt  }
0x67: {  	_ =	shalt  }
0x68: {  	_ =	shalt  }
0x69: {  	_ =	shalt  }
0x6a: {  	_ =	shalt  }
0x6b: {  	_ =	shalt  }
0x6c: {  	_ =	shalt  }
0x6d: {  	_ =	shalt  }
0x6e: {  	_ =	shalt  }
0x6f: {  	_ =	shalt  }
0x70: {  	_ =	shalt  }
0x71: {  	_ =	shalt  }
0x72: {  	_ =	shalt  }
0x73: {  	_ =	shalt  }
0x74: {  	_ =	shalt  }
0x75: {  	_ =	shalt  }
0x76: {  	_ =	shalt  }
0x77: {  	_ =	shalt  }
0x78: {  	_ =	shalt  }
0x79: {  	_ =	shalt  }
0x7a: {  	_ =	shalt  }
0x7b: {  	_ =	shalt  }
0x7c: {  	_ =	shalt  }
0x7d: {  	_ =	shalt  }
0x7e: {  	_ =	shalt  }
0x7f: {  	_ =	shalt  }
0x80: {  	_ =	shalt  }
0x81: {  	_ =	shalt  }
0x82: {  	_ =	shalt  }
0x83: {  	_ =	shalt  }
0x84: {  	_ =	shalt  }
0x85: {  	_ =	shalt  }
0x86: {  	_ =	shalt  }
0x87: {  	_ =	shalt  }
.Lfunc_end0:
.L_simem_size_0:
called_computation_lowered:
.L_overlay_start_0:
0x88: {  	s2 =	sld [smem:$0x3FD9]  }
0x89: {  	s3 =	sld [smem:$0x3FFE];
	_ =	sdelay $0x1  }
0x8a: {  	s1 =	srdreg.scid  }
0x8b: {  	s0 =	sand.u32 $0x1, s1  }
0x8c: {  	s17 =	sshll.u32 s0, $0xA;
	s2 =	sadd.s32 s3, s2  }
0x8d: {  	s2 =	sadd.s32 s2, s17  }
0x8e: {  	[smem:$0x3FC5] =	sst s2  }
0x8f: {  	_ = 	snop  }
0x90: {  	s2 =	sld [smem:$0x3FD0];
	(tm) =	ssettm $0x1  }
0x91: {  	s18 =	sld [smem:$0x3FFB];
	_ =	sdelay $0x3  }
0x92: {  	_ =	strace s18  }
0x93: {  	s3 =	sld [smem:$0x3FFC];
	_ =	sdelay $0x3  }
0x94: {  	_ =	strace s3  }
0x95: {  	s3 =	sld [smem:$0x3FFD];
	_ =	sdelay $0x3  }
0x96: {  	_ =	strace s3  }
0x97: {  	_ =	strace $0x8FFFFFFF  }
0x98: {  	s19 =	sld [smem:$0x3FDB];
	_ =	sdelay $0x1  }
0x99: {  	s4 =	simm.s32 $_scs_section_size  }
0x9a: {  	s5 =	simm.s32 $_size__tile_overlayer_lowered;
	s6 =	simm.s32 $_tile_overlayer_lowered  }
0x9b: {  	s22 =	simm.s32 $0x1BFF;
	s21 =	sshll.u32 s6, $0x1;
	s3 =	sadd.s32 s4, s19  }
0x9c: {  	s7 =	simm.s32 $0x0;
	s20 =	sshll.u32 s5, $0x1;
	s5 =	sadd.s32 s21, s3  }
0x9d: {  	[timem:s7], [sflag:s22] =	dma.local [hbm:s5], s20  }
0x9e: {  	_ =	swait.ge [sflag:s22], s20  }
0x9f: {  	s4 =	ssub.s32 $0x0, s20;
	[sflag:s22] =	ssyncset.done $0x0  }
0xa0: {  	[sflag:s22] =	ssyncadd.s32 s4;
	_ =	sdelay $0x1  }
0xa1: {  	s23 =	simm.s32 $0x1B8B  }
0xa2: {  	_ =	swait.ge [sflag:s23], $0x1  }
0xa3: {  	[sflag:s23] =	ssyncset.done $0x0  }
0xa4: {  	s25 =	simm.s32 $0x1B8E;
	s24 =	sld [smem:$0x3FFE];
	[sflag:s23] =	ssyncadd.s32 $0xFFFFFFFF  }
0xa5: {  	s26 =	simm.s32 $execute0_lowered;
	[smem:$0x3FD2] =	sst s25  }
0xa6: {  	s5 =	sshll.u32 s26, $0x1;
	_ =	strace $0x80000046;
	[dreg:$0x1] =	wrdreg $0xFFFFFFFF  }
0xa7: {  	s28 =	simm.s32 $_size_execute0_lowered;
	s3 =	sadd.s32 s3, s5;
	[dreg:$0x0] =	wrdreg $0x0  }
0xa8: {  	s5 =	sshll.u32 s28, $0x1;
	[dreg:$0x2] =	wrdreg s3  }
0xa9: {  	[dreg:$0x3] =	wrdreg s5  }
0xaa: {  	[dreg:$0x4] =	wrdreg $0xC0  }
0xab: {  	_ =	task [dreg:s7], $0x5FFFF  }
0xac: {  	[dreg:$0x1] =	wrdreg $0xFFFFFFFF  }
0xad: {  	[dreg:$0x0] =	wrdreg $0x60  }
0xae: {  	[dreg:$0x2] =	wrdreg s24  }
0xaf: {  	[dreg:$0x3] =	wrdreg s2  }
0xb0: {  	[dreg:$0x4] =	wrdreg $0x36800  }
0xb1: {  	[dreg:$0x5] =	wrdreg $0x9  }
0xb2: {  	_ =	task.clear_ibuf [dreg:s7], $0x6FFFF;
	_ =	strace $0x90000046  }
0xb3: {  	s29 =	simm.s32 $0x9;
	_ =	strace $0x80000048  }
0xb4: {  	_ =	swait.ge [sflag:s29], $0x1  }
0xb5: {  	[sflag:s29] =	ssyncadd.s32 $0xFFFFFFFF  }
0xb6: {  	_ =	strace $0x90000048  }
0xb7: {  	_ =	sfence  }
0xb8: {  	s30 =	sld [smem:$0x0];
	_ =	sdelay $0x2  }
0xb9: {  	s31 =	sshll.u32 s1, $0xD;
	s1 =	sshrl.u32 s1, $0x2  }
0xba: {  	s3 =	sand.u32 $0x4000, s31;
	s1 =	sadd.s32 s1, s30  }
0xbb: {  	s0 =	sor.u32 s3, s0;
	s1 =	sshll.u32 s1, $0x11  }
0xbc: {  	s0 =	sor.u32 s1, s0  }
0xbd: {  	s0 =	sadd.s32 $0x8F2B, s0  }
0xbe: {  	[sflag:s0] =	ssyncadd.remote.s32 $0x1  }
0xbf: {  	_ =	sfence.sel $0xFFFF  }
0xc0: {  	[dreg:$0x0] =	wrdreg $0xFFFFFFFF;
	(pc) =	sbr.abs _section_cstart, $3  }
0xc1: {  	[dreg:$0x1] =	wrdreg $0xFFFFFFFF  }
0xc2: {  	_ =	task.clear_ibuf [dreg:s7], $0x2FFFF;
	_ =	strace $0x9FFFFFFF  }
0xc3: {  	(tm) =	ssettm $0x7FFFFFFF  }
tec
execute0_lowered:
.L_overlay_start_1:
0x0: {  	(tag) =	ssettag $0x1  }
0x1: {  	s0 =	rddreg [dreg:$0x0]  }
0x2: {  	s9 =	rddreg [dreg:$0x1]  }
0x3: {  	s1 =	rddreg [dreg:$0x2];
	s2 =	simm.s32 $0x0;
	s3 =	srdreg.scid  }
0x4: {  	s11 =	stileid.u32;
	s12 =	simm.s32 $0x3;
	s14 =	simm.s32 $0x1  }
0x5: {  	s15 =	simm.s32 $0x80;
	s16 =	simm.s32 $0x1900;
	s28 =	simm.s32 $0x2400  }
0x6: {  	s29 =	simm.s32 $0xB80;
	s30 =	simm.s32 $0x2480;
	s31 =	simm.s32 $0xC00  }
0x7: {  	s17 =	simm.s32 $0x2;
	s18 =	simm.s32 $0x3200;
	s19 =	simm.s32 $0x0  }
0x8: {  	[smem:$0x7FF] =	sst s2;
	s4 =	sand.u32 $0x1, s3;
	s25 =	sshll.u32 s11, $0x1  }
0x9: {  	s3 =	sadd.s32 $0x200, s0;
	s5 =	sadd.s32 $0x82C00, s0;
	p0 =	sne.s32 s11, $0x0  }
0xa: {  	v3 =	vlaneseq.u32;
	s11 =	simm.s32 $0xC80;
	_ =	strace $0x80000047;
	s10 =	sor.u32 s4, s25  }
0xb: {  	v0 =	vmul.u32 $0xC8, v3;
	s6 =	ssub.s32 $0x2, s4;
	s4 =	sadd.s32 $0x64200, s0;
	s13 =	sshrl.u32 @!p0 s1, $0x3  }
0xc: {  	s7 =	smul.u32 $0x3200, s10;
	s26 =	sshrl.u32 s6, $0x1;
	s8 =	sshll.u32 s10, $0x5  }
0xd: {  	v3 =	vmul.u32 $0x2, v3;
	s10 =	sshll.u32 s10, $0x7;
	v1 =	vor.u32 $0x1, v0;
	v2 =	vor.u32 $0x2, v0;
	s0 =	ssub.s32 s6, s26;
	s8 =	sor.u32 $0x2, s8  }
0xe: {  	v4 =	vor.u32 $0x3, v0;
	v5 =	vor.u32 $0x4, v0;
	v6 =	vor.u32 $0x5, v0;
	s9 =	sadd.s32 s9, s10;
	s26 =	simm.s32 $0xB00;
	s6 =	sadd.s32 s3, s7  }
0xf: {  	v7 =	vor.u32 $0x6, v0;
	v8 =	vor.u32 $0x7, v0;
	v9 =	vor.u32 $0x1, v3;
	s10 =	smax.u32 s0, $0x1;
	s0 =	simm.s32 $0x2500;
	s7 =	sadd.s32 $0x190, s6  }
.LBB2_1:
0x10: {  	s20 =	simm.s32 $0x3600  }
0x11: {  	[tilespmem:s20], [sflag:$0x3] =	stream.linear.gather [hbm4b:s5+s2], $0x80, $0x38;
	[tilespmem:$0x12AA8] =	vst v63  }
0x12: {  	_ =	swait.ge [sflag:s12], $0x80  }
0x13: {  	[sflag:s12] =	ssyncset.done $0x0  }
0x14: {  	s20 =	simm.s32 @!p0 $0x1C03;
	[sflag:s12] =	ssyncadd.s32 $0xFFFFFF80  }
0x15: {  	v10 =	vld [tilespmem:$0x3600];
	[tilespmem:s2], [sflag:$0x1] =	stream.linear.gather [hbm4b:s6+s2], $0xC80, $0x38  }
0x16: {  	[spmem:s13], [sflag:s20] =	dma.local @!p0 [hbm:s4], $0x1E850  }
0x17: {  	s20 =	simm.s32 @!p0 $0x3  }
0x18: {  	_ =	swait.ge @!p0 [sflag:s20], $0x1E850  }
0x19: {  	[sflag:s20] =	ssyncset.done @!p0 $0x0  }
0x1a: {  	[sflag:s20] =	ssyncadd.s32 @!p0 $0xFFFE17B0  }
0x1b: {  	[bflag:$0x0] =	sbarrier.arrive $0xFFFF  }
0x1c: {  	_ =	swait.ge [sflag:s14], $0xC80  }
0x1d: {  	[sflag:s14] =	ssyncset.done $0x0  }
0x1e: {  	[sflag:s14] =	ssyncadd.s32 $0xFFFFF380  }
0x1f: {  	[tilespmem:s16], [sflag:$0x2] =	stream.indirect.gather [spmem:s1], $0x1, s2, s15, $0xb8;
	[tilespmem:$0x12AA8] =	vst v63  }
0x20: {  	s22 =	simm.s32 $0x1980  }
0x21: {  	[tilespmem:s22], [sflag:$0x2] =	stream.indirect.gather [spmem:s1], $0x1, s15, s15, $0xb8;
	[tilespmem:$0x12AA8] =	vst v63  }
0x22: {  	s23 =	simm.s32 $0x100;
	s21 =	simm.s32 $0x1A00  }
0x23: {  	[tilespmem:s21], [sflag:$0x2] =	stream.indirect.gather [spmem:s1], $0x1, s23, s15, $0xb8;
	[tilespmem:$0x12AA8] =	vst v63  }
0x24: {  	s24 =	simm.s32 $0x180;
	s25 =	simm.s32 $0x1A80  }
0x25: {  	[tilespmem:s25], [sflag:$0x2] =	stream.indirect.gather [spmem:s1], $0x1, s24, s15, $0xb8;
	[tilespmem:$0x12AA8] =	vst v63  }
0x26: {  	s22 =	simm.s32 $0x200;
	s23 =	simm.s32 $0x1B00  }
0x27: {  	[tilespmem:s23], [sflag:$0x2] =	stream.indirect.gather [spmem:s1], $0x1, s22, s15, $0xb8;
	[tilespmem:$0x12AA8] =	vst v63  }
0x28: {  	s24 =	simm.s32 $0x280;
	s25 =	simm.s32 $0x1B80  }
0x29: {  	[tilespmem:s25], [sflag:$0x2] =	stream.indirect.gather [spmem:s1], $0x1, s24, s15, $0xb8;
	[tilespmem:$0x12AA8] =	vst v63  }
0x2a: {  	s22 =	simm.s32 $0x300;
	s23 =	simm.s32 $0x1C00  }
0x2b: {  	[tilespmem:s23], [sflag:$0x2] =	stream.indirect.gather [spmem:s1], $0x1, s22, s15, $0xb8;
	[tilespmem:$0x12AA8] =	vst v63  }
0x2c: {  	s24 =	simm.s32 $0x380;
	s25 =	simm.s32 $0x1C80  }
0x2d: {  	[tilespmem:s25], [sflag:$0x2] =	stream.indirect.gather [spmem:s1], $0x1, s24, s15, $0xb8;
	[tilespmem:$0x12AA8] =	vst v63  }
0x2e: {  	s22 =	simm.s32 $0x400;
	s23 =	simm.s32 $0x1D00  }
0x2f: {  	[tilespmem:s23], [sflag:$0x2] =	stream.indirect.gather [spmem:s1], $0x1, s22, s15, $0xb8;
	[tilespmem:$0x12AA8] =	vst v63  }
0x30: {  	s24 =	simm.s32 $0x480;
	s25 =	simm.s32 $0x1D80  }
0x31: {  	[tilespmem:s25], [sflag:$0x2] =	stream.indirect.gather [spmem:s1], $0x1, s24, s15, $0xb8;
	[tilespmem:$0x12AA8] =	vst v63  }
0x32: {  	s22 =	simm.s32 $0x500;
	s23 =	simm.s32 $0x1E00  }
0x33: {  	[tilespmem:s23], [sflag:$0x2] =	stream.indirect.gather [spmem:s1], $0x1, s22, s15, $0xb8;
	[tilespmem:$0x12AA8] =	vst v63  }
0x34: {  	s24 =	simm.s32 $0x580;
	s25 =	simm.s32 $0x1E80  }
0x35: {  	[tilespmem:s25], [sflag:$0x2] =	stream.indirect.gather [spmem:s1], $0x1, s24, s15, $0xb8;
	[tilespmem:$0x12AA8] =	vst v63  }
0x36: {  	s22 =	simm.s32 $0x600;
	s23 =	simm.s32 $0x1F00  }
0x37: {  	[tilespmem:s23], [sflag:$0x2] =	stream.indirect.gather [spmem:s1], $0x1, s22, s15, $0xb8;
	[tilespmem:$0x12AA8] =	vst v63  }
0x38: {  	s24 =	simm.s32 $0x680;
	s25 =	simm.s32 $0x1F80  }
0x39: {  	[tilespmem:s25], [sflag:$0x2] =	stream.indirect.gather [spmem:s1], $0x1, s24, s15, $0xb8;
	[tilespmem:$0x12AA8] =	vst v63  }
0x3a: {  	s22 =	simm.s32 $0x700;
	s23 =	simm.s32 $0x2000  }
0x3b: {  	[tilespmem:s23], [sflag:$0x2] =	stream.indirect.gather [spmem:s1], $0x1, s22, s15, $0xb8;
	[tilespmem:$0x12AA8] =	vst v63  }
0x3c: {  	s24 =	simm.s32 $0x780;
	s25 =	simm.s32 $0x2080  }
0x3d: {  	[tilespmem:s25], [sflag:$0x2] =	stream.indirect.gather [spmem:s1], $0x1, s24, s15, $0xb8;
	[tilespmem:$0x12AA8] =	vst v63  }
0x3e: {  	s22 =	simm.s32 $0x800;
	s23 =	simm.s32 $0x2100  }
0x3f: {  	[tilespmem:s23], [sflag:$0x2] =	stream.indirect.gather [spmem:s1], $0x1, s22, s15, $0xb8;
	[tilespmem:$0x12AA8] =	vst v63  }
0x40: {  	s24 =	simm.s32 $0x880;
	s25 =	simm.s32 $0x2180  }
0x41: {  	[tilespmem:s25], [sflag:$0x2] =	stream.indirect.gather [spmem:s1], $0x1, s24, s15, $0xb8;
	[tilespmem:$0x12AA8] =	vst v63  }
0x42: {  	s22 =	simm.s32 $0x900;
	s23 =	simm.s32 $0x2200  }
0x43: {  	[tilespmem:s23], [sflag:$0x2] =	stream.indirect.gather [spmem:s1], $0x1, s22, s15, $0xb8;
	[tilespmem:$0x12AA8] =	vst v63  }
0x44: {  	s24 =	simm.s32 $0x980;
	s25 =	simm.s32 $0x2280  }
0x45: {  	[tilespmem:s25], [sflag:$0x2] =	stream.indirect.gather [spmem:s1], $0x1, s24, s15, $0xb8;
	[tilespmem:$0x12AA8] =	vst v63  }
0x46: {  	s22 =	simm.s32 $0xA00;
	s23 =	simm.s32 $0x2300  }
0x47: {  	[tilespmem:s23], [sflag:$0x2] =	stream.indirect.gather [spmem:s1], $0x1, s22, s15, $0xb8;
	[tilespmem:$0x12AA8] =	vst v63  }
0x48: {  	s24 =	simm.s32 $0xA80;
	s25 =	simm.s32 $0x2380  }
0x49: {  	[tilespmem:s25], [sflag:$0x2] =	stream.indirect.gather [spmem:s1], $0x1, s24, s15, $0xb8;
	[tilespmem:$0x12AA8] =	vst v63  }
0x4a: {  	_ = 	snop  }
0x4b: {  	[tilespmem:s28], [sflag:$0x2] =	stream.indirect.gather [spmem:s1], $0x1, s26, s15, $0xb8;
	[tilespmem:$0x12AA8] =	vst v63  }
0x4c: {  	_ = 	snop  }
0x4d: {  	[tilespmem:s30], [sflag:$0x2] =	stream.indirect.gather [spmem:s1], $0x1, s29, s15, $0xb8;
	[tilespmem:$0x12AA8] =	vst v63  }
0x4e: {  	_ = 	snop  }
0x4f: {  	[tilespmem:s0], [sflag:$0x2] =	stream.indirect.gather [spmem:s1], $0x1, s31, s15, $0xb8;
	[tilespmem:$0x12AA8] =	vst v63  }
0x50: {  	s20 =	simm.s32 $0x0  }
0x51: {  	v11 =	vmul.f32 $0.0e+00, v10;
	[tilespmem:s11], [sflag:$0x1] =	stream.linear.gather [hbm4b:s7+s2], $0xC80, $0x38;
	[tilespmem:$0x12AA8] =	vst v63  }
.LBB2_2:
0x52: {  	_ =	swait.ge [sflag:s17], $0x80  }
0x53: {  	[sflag:s17] =	ssyncset.done $0x0  }
0x54: {  	[sflag:s17] =	ssyncadd.s32 $0xFFFFFF80  }
0x55: {  	_ =	swait.ge [sflag:s17], $0x80  }
0x56: {  	[sflag:s17] =	ssyncset.done $0x0  }
0x57: {  	[sflag:s17] =	ssyncadd.s32 $0xFFFFFF80  }
0x58: {  	_ =	swait.ge [sflag:s17], $0x80  }
0x59: {  	[sflag:s17] =	ssyncset.done $0x0  }
0x5a: {  	[sflag:s17] =	ssyncadd.s32 $0xFFFFFF80  }
0x5b: {  	_ =	swait.ge [sflag:s17], $0x80  }
0x5c: {  	[sflag:s17] =	ssyncset.done $0x0  }
0x5d: {  	[sflag:s17] =	ssyncadd.s32 $0xFFFFFF80  }
0x5e: {  	_ =	swait.ge [sflag:s17], $0x80  }
0x5f: {  	[sflag:s17] =	ssyncset.done $0x0  }
0x60: {  	[sflag:s17] =	ssyncadd.s32 $0xFFFFFF80  }
0x61: {  	_ =	swait.ge [sflag:s17], $0x80  }
0x62: {  	[sflag:s17] =	ssyncset.done $0x0  }
0x63: {  	[sflag:s17] =	ssyncadd.s32 $0xFFFFFF80  }
0x64: {  	_ =	swait.ge [sflag:s17], $0x80  }
0x65: {  	[sflag:s17] =	ssyncset.done $0x0  }
0x66: {  	[sflag:s17] =	ssyncadd.s32 $0xFFFFFF80  }
0x67: {  	_ =	swait.ge [sflag:s17], $0x80  }
0x68: {  	[sflag:s17] =	ssyncset.done $0x0  }
0x69: {  	[sflag:s17] =	ssyncadd.s32 $0xFFFFFF80  }
0x6a: {  	_ =	swait.ge [sflag:s17], $0x80  }
0x6b: {  	[sflag:s17] =	ssyncset.done $0x0  }
0x6c: {  	[sflag:s17] =	ssyncadd.s32 $0xFFFFFF80  }
0x6d: {  	_ =	swait.ge [sflag:s17], $0x80  }
0x6e: {  	[sflag:s17] =	ssyncset.done $0x0  }
0x6f: {  	[sflag:s17] =	ssyncadd.s32 $0xFFFFFF80  }
0x70: {  	_ =	swait.ge [sflag:s17], $0x80  }
0x71: {  	[sflag:s17] =	ssyncset.done $0x0  }
0x72: {  	[sflag:s17] =	ssyncadd.s32 $0xFFFFFF80  }
0x73: {  	_ =	swait.ge [sflag:s17], $0x80  }
0x74: {  	[sflag:s17] =	ssyncset.done $0x0  }
0x75: {  	[sflag:s17] =	ssyncadd.s32 $0xFFFFFF80  }
0x76: {  	_ =	swait.ge [sflag:s17], $0x80  }
0x77: {  	[sflag:s17] =	ssyncset.done $0x0  }
0x78: {  	[sflag:s17] =	ssyncadd.s32 $0xFFFFFF80  }
0x79: {  	_ =	swait.ge [sflag:s17], $0x80  }
0x7a: {  	[sflag:s17] =	ssyncset.done $0x0  }
0x7b: {  	[sflag:s17] =	ssyncadd.s32 $0xFFFFFF80  }
0x7c: {  	_ =	swait.ge [sflag:s17], $0x80  }
0x7d: {  	[sflag:s17] =	ssyncset.done $0x0  }
0x7e: {  	[sflag:s17] =	ssyncadd.s32 $0xFFFFFF80  }
0x7f: {  	_ =	swait.ge [sflag:s17], $0x80  }
0x80: {  	[sflag:s17] =	ssyncset.done $0x0  }
0x81: {  	[sflag:s17] =	ssyncadd.s32 $0xFFFFFF80  }
0x82: {  	_ =	swait.ge [sflag:s17], $0x80  }
0x83: {  	[sflag:s17] =	ssyncset.done $0x0  }
0x84: {  	[sflag:s17] =	ssyncadd.s32 $0xFFFFFF80  }
0x85: {  	_ =	swait.ge [sflag:s17], $0x80  }
0x86: {  	[sflag:s17] =	ssyncset.done $0x0  }
0x87: {  	[sflag:s17] =	ssyncadd.s32 $0xFFFFFF80  }
0x88: {  	_ =	swait.ge [sflag:s17], $0x80  }
0x89: {  	[sflag:s17] =	ssyncset.done $0x0  }
0x8a: {  	[sflag:s17] =	ssyncadd.s32 $0xFFFFFF80  }
0x8b: {  	_ =	swait.ge [sflag:s17], $0x80  }
0x8c: {  	[sflag:s17] =	ssyncset.done $0x0  }
0x8d: {  	[sflag:s17] =	ssyncadd.s32 $0xFFFFFF80  }
0x8e: {  	_ =	swait.ge [sflag:s17], $0x80  }
0x8f: {  	[sflag:s17] =	ssyncset.done $0x0  }
0x90: {  	[sflag:s17] =	ssyncadd.s32 $0xFFFFFF80  }
0x91: {  	_ =	swait.ge [sflag:s17], $0x80  }
0x92: {  	[sflag:s17] =	ssyncset.done $0x0  }
0x93: {  	[sflag:s17] =	ssyncadd.s32 $0xFFFFFF80  }
0x94: {  	_ =	swait.ge [sflag:s17], $0x80  }
0x95: {  	[sflag:s17] =	ssyncset.done $0x0  }
0x96: {  	[sflag:s17] =	ssyncadd.s32 $0xFFFFFF80  }
0x97: {  	_ =	swait.ge [sflag:s17], $0x80  }
0x98: {  	s21 =	sand.u32 $0x1, s20;
	s22 =	smin.u32 s20, $0x1D;
	[sflag:s17] =	ssyncset.done $0x0  }
0x99: {  	s23 =	smul.u32 $0x3200, s21;
	s22 =	sadd.s32 s22, s8;
	[sflag:s17] =	ssyncadd.s32 $0xFFFFFF80  }
0x9a: {  	s22 =	smul.u32 $0x190, s22;
	_ =	swait.ge [sflag:s17], $0x80  }
0x9b: {  	s25 =	simm.s32 $0x0;
	s24 =	sxor.u32 $0x1, s21;
	[sflag:s17] =	ssyncset.done $0x0  }
0x9c: {  	s23 =	sshrl.u32 s23, $0x2;
	s22 =	sadd.s32 s3, s22;
	[sflag:s17] =	ssyncadd.s32 $0xFFFFFF80  }
0x9d: {  	[tilespmem:s23], [sflag:$0x1] =	stream.linear.gather [hbm4b:s22+s25], $0xC80, $0x38;
	[tilespmem:$0x12AA8] =	vst v63  }
0x9e: {  	s22 =	smul.u32 $0xC80, s24;
	_ =	swait.ge [sflag:s14], $0xC80  }
0x9f: {  	[sflag:s14] =	ssyncset.done $0x0  }
0xa0: {  	s24 =	sadd.s32 $0x1900, s22;
	[sflag:s14] =	ssyncadd.s32 $0xFFFFF380  }
0xa1: {  	[tilespmem:s24], [sflag:$0x2] =	stream.indirect.gather [spmem:s1], $0x1, s22, s15, $0xb8;
	[tilespmem:$0x12AA8] =	vst v63  }
0xa2: {  	s25 =	sadd.s32 $0x80, s22;
	s24 =	sadd.s32 $0x1980, s22  }
0xa3: {  	[tilespmem:s24], [sflag:$0x2] =	stream.indirect.gather [spmem:s1], $0x1, s25, s15, $0xb8;
	[tilespmem:$0x12AA8] =	vst v63  }
0xa4: {  	s24 =	sadd.s32 $0x100, s22;
	s25 =	sadd.s32 $0x1A00, s22  }
0xa5: {  	[tilespmem:s25], [sflag:$0x2] =	stream.indirect.gather [spmem:s1], $0x1, s24, s15, $0xb8;
	[tilespmem:$0x12AA8] =	vst v63  }
0xa6: {  	s24 =	sadd.s32 $0x180, s22;
	s25 =	sadd.s32 $0x1A80, s22  }
0xa7: {  	[tilespmem:s25], [sflag:$0x2] =	stream.indirect.gather [spmem:s1], $0x1, s24, s15, $0xb8;
	[tilespmem:$0x12AA8] =	vst v63  }
0xa8: {  	s24 =	sadd.s32 $0x200, s22;
	s25 =	sadd.s32 $0x1B00, s22  }
0xa9: {  	[tilespmem:s25], [sflag:$0x2] =	stream.indirect.gather [spmem:s1], $0x1, s24, s15, $0xb8;
	[tilespmem:$0x12AA8] =	vst v63  }
0xaa: {  	s24 =	sadd.s32 $0x280, s22;
	s25 =	sadd.s32 $0x1B80, s22  }
0xab: {  	[tilespmem:s25], [sflag:$0x2] =	stream.indirect.gather [spmem:s1], $0x1, s24, s15, $0xb8;
	[tilespmem:$0x12AA8] =	vst v63  }
0xac: {  	s24 =	sadd.s32 $0x300, s22;
	s25 =	sadd.s32 $0x1C00, s22  }
0xad: {  	[tilespmem:s25], [sflag:$0x2] =	stream.indirect.gather [spmem:s1], $0x1, s24, s15, $0xb8;
	[tilespmem:$0x12AA8] =	vst v63  }
0xae: {  	s24 =	sadd.s32 $0x380, s22;
	s25 =	sadd.s32 $0x1C80, s22  }
0xaf: {  	[tilespmem:s25], [sflag:$0x2] =	stream.indirect.gather [spmem:s1], $0x1, s24, s15, $0xb8;
	[tilespmem:$0x12AA8] =	vst v63  }
0xb0: {  	s24 =	sadd.s32 $0x400, s22;
	s25 =	sadd.s32 $0x1D00, s22  }
0xb1: {  	[tilespmem:s25], [sflag:$0x2] =	stream.indirect.gather [spmem:s1], $0x1, s24, s15, $0xb8;
	[tilespmem:$0x12AA8] =	vst v63  }
0xb2: {  	s24 =	sadd.s32 $0x480, s22;
	s25 =	sadd.s32 $0x1D80, s22  }
0xb3: {  	[tilespmem:s25], [sflag:$0x2] =	stream.indirect.gather [spmem:s1], $0x1, s24, s15, $0xb8;
	[tilespmem:$0x12AA8] =	vst v63  }
0xb4: {  	s24 =	sadd.s32 $0x500, s22;
	s25 =	sadd.s32 $0x1E00, s22  }
0xb5: {  	[tilespmem:s25], [sflag:$0x2] =	stream.indirect.gather [spmem:s1], $0x1, s24, s15, $0xb8;
	[tilespmem:$0x12AA8] =	vst v63  }
0xb6: {  	s24 =	sadd.s32 $0x580, s22;
	s25 =	sadd.s32 $0x1E80, s22  }
0xb7: {  	[tilespmem:s25], [sflag:$0x2] =	stream.indirect.gather [spmem:s1], $0x1, s24, s15, $0xb8;
	[tilespmem:$0x12AA8] =	vst v63  }
0xb8: {  	s24 =	sadd.s32 $0x600, s22;
	s25 =	sadd.s32 $0x1F00, s22  }
0xb9: {  	[tilespmem:s25], [sflag:$0x2] =	stream.indirect.gather [spmem:s1], $0x1, s24, s15, $0xb8;
	[tilespmem:$0x12AA8] =	vst v63  }
0xba: {  	s24 =	sadd.s32 $0x680, s22;
	s25 =	sadd.s32 $0x1F80, s22  }
0xbb: {  	[tilespmem:s25], [sflag:$0x2] =	stream.indirect.gather [spmem:s1], $0x1, s24, s15, $0xb8;
	[tilespmem:$0x12AA8] =	vst v63  }
0xbc: {  	s24 =	sadd.s32 $0x700, s22;
	s25 =	sor.u32 $0x2000, s22  }
0xbd: {  	[tilespmem:s25], [sflag:$0x2] =	stream.indirect.gather [spmem:s1], $0x1, s24, s15, $0xb8;
	[tilespmem:$0x12AA8] =	vst v63  }
0xbe: {  	s24 =	sadd.s32 $0x780, s22;
	s25 =	sadd.s32 $0x2080, s22  }
0xbf: {  	[tilespmem:s25], [sflag:$0x2] =	stream.indirect.gather [spmem:s1], $0x1, s24, s15, $0xb8;
	[tilespmem:$0x12AA8] =	vst v63  }
0xc0: {  	s24 =	sadd.s32 $0x800, s22;
	s25 =	sadd.s32 $0x2100, s22  }
0xc1: {  	[tilespmem:s25], [sflag:$0x2] =	stream.indirect.gather [spmem:s1], $0x1, s24, s15, $0xb8;
	[tilespmem:$0x12AA8] =	vst v63  }
0xc2: {  	s24 =	sadd.s32 $0x880, s22;
	s25 =	sadd.s32 $0x2180, s22  }
0xc3: {  	[tilespmem:s25], [sflag:$0x2] =	stream.indirect.gather [spmem:s1], $0x1, s24, s15, $0xb8;
	[tilespmem:$0x12AA8] =	vst v63  }
0xc4: {  	s24 =	sadd.s32 $0x900, s22;
	s25 =	sadd.s32 $0x2200, s22  }
0xc5: {  	[tilespmem:s25], [sflag:$0x2] =	stream.indirect.gather [spmem:s1], $0x1, s24, s15, $0xb8;
	[tilespmem:$0x12AA8] =	vst v63  }
0xc6: {  	s24 =	sadd.s32 $0x980, s22;
	s25 =	sadd.s32 $0x2280, s22  }
0xc7: {  	[tilespmem:s25], [sflag:$0x2] =	stream.indirect.gather [spmem:s1], $0x1, s24, s15, $0xb8;
	[tilespmem:$0x12AA8] =	vst v63  }
0xc8: {  	s24 =	sadd.s32 $0xA00, s22;
	s25 =	sadd.s32 $0x2300, s22  }
0xc9: {  	[tilespmem:s25], [sflag:$0x2] =	stream.indirect.gather [spmem:s1], $0x1, s24, s15, $0xb8;
	[tilespmem:$0x12AA8] =	vst v63  }
0xca: {  	s21 =	smul.u32 $0xC80, s21;
	s24 =	sadd.s32 $0xA80, s22;
	s25 =	sadd.s32 $0x2380, s22  }
0xcb: {  	[tilespmem:s25], [sflag:$0x2] =	stream.indirect.gather [spmem:s1], $0x1, s24, s15, $0xb8;
	[tilespmem:$0x12AA8] =	vst v63  }
0xcc: {  	s23 =	sadd.s32 $0xB00, s22;
	s24 =	sadd.s32 $0x2400, s22;
	s25 =	sadd.s32 $0x0, s21  }
0xcd: {  	v12 =	vadd.s32 s25, v0;
	[tilespmem:s24], [sflag:$0x2] =	stream.indirect.gather [spmem:s1], $0x1, s23, s15, $0xb8;
	[tilespmem:$0x12AA8] =	vst v63  }
0xce: {  	v13 =	vadd.s32 s25, v1;
	s23 =	sadd.s32 $0xB80, s22;
	s24 =	sadd.s32 $0x2480, s22  }
0xcf: {  	v14 =	vadd.s32 s25, v2;
	[tilespmem:s24], [sflag:$0x2] =	stream.indirect.gather [spmem:s1], $0x1, s23, s15, $0xb8;
	[tilespmem:$0x12AA8] =	vst v63  }
0xd0: {  	v15 =	vadd.s32 s25, v4;
	s24 =	sadd.s32 $0xC00, s22;
	s22 =	sadd.s32 $0x2500, s22  }
0xd1: {  	v16 =	vadd.s32 s25, v5;
	[tilespmem:s22], [sflag:$0x2] =	stream.indirect.gather [spmem:s1], $0x1, s24, s15, $0xb8;
	[tilespmem:$0x12AA8] =	vst v63  }
0xd2: {  	v17 =	vadd.s32 s25, v6;
	v12 =	vld.idx.msk [tilespmem:v12+s16+$0x0], $0xffff  }
0xd3: {  	v18 =	vadd.s32 s25, v7;
	v13 =	vld.idx.msk [tilespmem:v13+s16+$0x0], $0xffff  }
0xd4: {  	v19 =	vadd.s32 s25, v8;
	s24 =	sadd.s32 $0x8, s21;
	v20 =	vld.idx.msk [tilespmem:v14+s16+$0x0], $0xffff  }
0xd5: {  	v21 =	vadd.s32 s24, v0;
	v22 =	vld.idx.msk [tilespmem:v15+s16+$0x0], $0xffff  }
0xd6: {  	v15 =	vadd.s32 s24, v1;
	v23 =	vld.idx.msk [tilespmem:v16+s16+$0x0], $0xffff  }
0xd7: {  	v25 =	vld.idx.msk [tilespmem:v17+s16+$0x0], $0xffff;
	v17 =	vadd.s32 s24, v4  }
0xd8: {  	v24 =	vadd.s32 s24, v2;
	v14 =	vld.idx.msk [tilespmem:v18+s16+$0x0], $0xffff;
	v13 =	vadd.f32 v13, v11  }
0xd9: {  	v16 =	vld.idx.msk [tilespmem:v19+s16+$0x0], $0xffff;
	v19 =	vadd.s32 s24, v5;
	v18 =	vadd.f32 v12, v10  }
0xda: {  	v12 =	vld.idx.msk [tilespmem:v21+s16+$0x0], $0xffff;
	v27 =	vadd.f32 v22, v13;
	v22 =	vadd.s32 s24, v6  }
0xdb: {  	v15 =	vld.idx.msk [tilespmem:v15+s16+$0x0], $0xffff;
	v26 =	vadd.f32 v20, v18;
	v20 =	vadd.s32 s24, v7  }
0xdc: {  	s22 =	sadd.s32 $0x10, s21;
	v17 =	vld.idx.msk [tilespmem:v17+s16+$0x0], $0xffff;
	v18 =	vadd.s32 s24, v8  }
0xdd: {  	s23 =	simm.s32 $0x18;
	v21 =	vadd.s32 s22, v0;
	v13 =	vld.idx.msk [tilespmem:v24+s16+$0x0], $0xffff;
	v23 =	vadd.f32 v23, v26;
	v24 =	vadd.f32 v25, v27  }
.LBB2_3:
0xde: {  	p1 =	sne.s32 s23, $0xC0;
	v25 =	vadd.s32 s22, v1;
	v26 =	vld.idx.msk [tilespmem:v19+s16+$0x0], $0xffff  }
0xdf: {  	v27 =	vadd.s32 s22, v2;
	v28 =	vld.idx.msk [tilespmem:v22+s16+$0x0], $0xffff;
	v22 =	vadd.f32 v14, v23;
	v16 =	vadd.f32 v16, v24  }
0xe0: {  	v23 =	vadd.s32 s22, v4;
	v14 =	vld.idx.msk [tilespmem:v20+s16+$0x0], $0xffff  }
.Ltmp0:
0xe1: {  	v19 =	vadd.s32 s22, v5;
	v24 =	vadd.f32 v12, v22;
	v29 =	vadd.f32 v15, v16;
	v16 =	vld.idx.msk [tilespmem:v18+s16+$0x0], $0xffff;
	(pc) =	sbr.rel @p1 .LBB2_3-.Ltmp0, $4  }
0xe2: {  	v22 =	vadd.s32 s22, v6;
	v12 =	vld.idx.msk [tilespmem:v21+s16+$0x0], $0xffff  }
0xe3: {  	v20 =	vadd.s32 s22, v7;
	v15 =	vld.idx.msk [tilespmem:v25+s16+$0x0], $0xffff;
	v24 =	vadd.f32 v13, v24;
	v25 =	vadd.f32 v17, v29  }
0xe4: {  	v18 =	vadd.s32 s22, v8;
	s22 =	sadd.s32 s21, s23;
	v13 =	vld.idx.msk [tilespmem:v27+s16+$0x0], $0xffff  }
0xe5: {  	s23 =	sadd.s32 $0x8, s23;
	v21 =	vadd.s32 s22, v0;
	v17 =	vld.idx.msk [tilespmem:v23+s16+$0x0], $0xffff;
	v23 =	vadd.f32 v26, v24;
	v24 =	vadd.f32 v28, v25  }
0xe6: {  	_ =	sdelay $0x3  }
0xe7: {  	v25 =	vadd.s32 s22, v1;
	v19 =	vld.idx.msk [tilespmem:v19+s16+$0x0], $0xffff;
	v14 =	vadd.f32 v14, v23;
	v16 =	vadd.f32 v16, v24  }
0xe8: {  	v45 =	vadd.s32 s22, v2;
	v22 =	vld.idx.msk [tilespmem:v22+s16+$0x0], $0xffff  }
0xe9: {  	v46 =	vadd.s32 s22, v4;
	v20 =	vld.idx.msk [tilespmem:v20+s16+$0x0], $0xffff;
	v12 =	vadd.f32 v12, v14;
	v47 =	vadd.f32 v15, v16  }
0xea: {  	v48 =	vadd.s32 s22, v5;
	v49 =	vld.idx.msk [tilespmem:v18+s16+$0x0], $0xffff  }
0xeb: {  	v50 =	vld.idx.msk [tilespmem:v21+s16+$0x0], $0xffff;
	v51 =	vadd.s32 s22, v6;
	v12 =	vadd.f32 v13, v12;
	v52 =	vadd.f32 v17, v47  }
0xec: {  	v54 =	vadd.s32 s22, v7;
	v53 =	vld.idx.msk [tilespmem:v25+s16+$0x0], $0xffff  }
0xed: {  	v55 =	vadd.s32 s22, v8;
	v23 =	vld.idx.msk [tilespmem:v45+s16+$0x0], $0xffff;
	v12 =	vadd.f32 v19, v12;
	v13 =	vadd.f32 v22, v52  }
0xee: {  	v56 =	vld.idx.msk [tilespmem:v46+s16+$0x0], $0xffff  }
0xef: {  	v15 =	vld.idx.msk [tilespmem:v48+s16+$0x0], $0xffff;
	v12 =	vadd.f32 v20, v12;
	v13 =	vadd.f32 v49, v13  }
0xf0: {  	v57 =	vld.idx.msk [tilespmem:v51+s16+$0x0], $0xffff  }
0xf1: {  	v17 =	vld.idx.msk [tilespmem:v54+s16+$0x0], $0xffff;
	v12 =	vadd.f32 v50, v12;
	v13 =	vadd.f32 v53, v13  }
0xf2: {  	v58 =	vld.idx.msk [tilespmem:v55+s16+$0x0], $0xffff  }
0xf3: {  	v12 =	vadd.f32 v23, v12;
	v13 =	vadd.f32 v56, v13;
	_ =	sdelay $0x1  }
0xf4: {  	v12 =	vadd.f32 v15, v12;
	v13 =	vadd.f32 v57, v13;
	_ =	sdelay $0x1  }
0xf5: {  	v12 =	vadd.f32 v17, v12;
	v13 =	vadd.f32 v58, v13;
	_ =	sdelay $0x1  }
0xf6: {  	v12 =	vadd.f32 v13, v12;
	_ =	sdelay $0x1  }
0xf7: {  	v13 =	vsub.f32 $0.0e+00, v12;
	_ =	sdelay $0x1  }
0xf8: {  	v13 =	vmul.f32 $1.442695020e+00, v13;
	_ =	sdelay $0x1  }
0xf9: {  	(erf) = vpow2.f32 v13;
	_ =	sdelay $0x8  }
0xfa: {  	v13 =	vpop (erf)  }
0xfb: {  	v13 =	vadd.f32 $1.000000000e+00, v13  }
0xfc: {  	v12 =	vmul.f32 $1.442695020e+00, v12  }
0xfd: {  	(erf) = vrcp.f32 v13  }
0xfe: {  	(erf) = vpow2.f32 v12;
	_ =	sdelay $0x7  }
0xff: {  	v59 =	vpop (erf)  }
0x100: {  	v60 =	vpop (erf)  }
0x101: {  	v13 =	vadd.f32 $1.000000000e+00, v60;
	_ =	sdelay $0x1  }
0x102: {  	(erf) = vrcp.f32 v13;
	_ =	sdelay $0x2  }
0x103: {  	s21 =	sshll.u32 s20, $0x5  }
0x104: {  	s20 =	sadd.s32 $0x1, s20;
	v61 =	vor.u32 s21, v3  }
0x105: {  	v62 =	vor.u32 s21, v9;
	p1 =	sne.s32 s20, $0x20  }
.Ltmp1:
0x106: {  	_ = 	snop;
	(pc) =	sbr.rel @p1 .LBB2_2-.Ltmp1, $3  }
0x107: {  	_ =	sdelay $0x1  }
0x108: {  	[tilespmem:v61+s18+$0x0] =	vst.idx.msk $0xffff, v59;
	v63 =	vpop (erf)  }
0x109: {  	[tilespmem:v62+s18+$0x0] =	vst.idx.msk $0xffff, v63  }
0x10a: {  	_ =	swait.ge [sflag:s17], $0x80  }
0x10b: {  	[sflag:s17] =	ssyncset.done $0x0  }
0x10c: {  	[sflag:s17] =	ssyncadd.s32 $0xFFFFFF80  }
0x10d: {  	_ =	swait.ge [sflag:s17], $0x80  }
0x10e: {  	[sflag:s17] =	ssyncset.done $0x0  }
0x10f: {  	[sflag:s17] =	ssyncadd.s32 $0xFFFFFF80  }
0x110: {  	_ =	swait.ge [sflag:s17], $0x80  }
0x111: {  	[sflag:s17] =	ssyncset.done $0x0  }
0x112: {  	[sflag:s17] =	ssyncadd.s32 $0xFFFFFF80  }
0x113: {  	_ =	swait.ge [sflag:s17], $0x80  }
0x114: {  	[sflag:s17] =	ssyncset.done $0x0  }
0x115: {  	[sflag:s17] =	ssyncadd.s32 $0xFFFFFF80  }
0x116: {  	_ =	swait.ge [sflag:s17], $0x80  }
0x117: {  	[sflag:s17] =	ssyncset.done $0x0  }
0x118: {  	[sflag:s17] =	ssyncadd.s32 $0xFFFFFF80  }
0x119: {  	_ =	swait.ge [sflag:s17], $0x80  }
0x11a: {  	[sflag:s17] =	ssyncset.done $0x0  }
0x11b: {  	[sflag:s17] =	ssyncadd.s32 $0xFFFFFF80  }
0x11c: {  	_ =	swait.ge [sflag:s17], $0x80  }
0x11d: {  	[sflag:s17] =	ssyncset.done $0x0  }
0x11e: {  	[sflag:s17] =	ssyncadd.s32 $0xFFFFFF80  }
0x11f: {  	_ =	swait.ge [sflag:s17], $0x80  }
0x120: {  	[sflag:s17] =	ssyncset.done $0x0  }
0x121: {  	[sflag:s17] =	ssyncadd.s32 $0xFFFFFF80  }
0x122: {  	_ =	swait.ge [sflag:s17], $0x80  }
0x123: {  	[sflag:s17] =	ssyncset.done $0x0  }
0x124: {  	[sflag:s17] =	ssyncadd.s32 $0xFFFFFF80  }
0x125: {  	_ =	swait.ge [sflag:s17], $0x80  }
0x126: {  	[sflag:s17] =	ssyncset.done $0x0  }
0x127: {  	[sflag:s17] =	ssyncadd.s32 $0xFFFFFF80  }
0x128: {  	_ =	swait.ge [sflag:s17], $0x80  }
0x129: {  	[sflag:s17] =	ssyncset.done $0x0  }
0x12a: {  	[sflag:s17] =	ssyncadd.s32 $0xFFFFFF80  }
0x12b: {  	_ =	swait.ge [sflag:s17], $0x80  }
0x12c: {  	[sflag:s17] =	ssyncset.done $0x0  }
0x12d: {  	[sflag:s17] =	ssyncadd.s32 $0xFFFFFF80  }
0x12e: {  	_ =	swait.ge [sflag:s17], $0x80  }
0x12f: {  	[sflag:s17] =	ssyncset.done $0x0  }
0x130: {  	[sflag:s17] =	ssyncadd.s32 $0xFFFFFF80  }
0x131: {  	_ =	swait.ge [sflag:s17], $0x80  }
0x132: {  	[sflag:s17] =	ssyncset.done $0x0  }
0x133: {  	[sflag:s17] =	ssyncadd.s32 $0xFFFFFF80  }
0x134: {  	_ =	swait.ge [sflag:s17], $0x80  }
0x135: {  	[sflag:s17] =	ssyncset.done $0x0  }
0x136: {  	[sflag:s17] =	ssyncadd.s32 $0xFFFFFF80  }
0x137: {  	_ =	swait.ge [sflag:s17], $0x80  }
0x138: {  	[sflag:s17] =	ssyncset.done $0x0  }
0x139: {  	[sflag:s17] =	ssyncadd.s32 $0xFFFFFF80  }
0x13a: {  	_ =	swait.ge [sflag:s17], $0x80  }
0x13b: {  	[sflag:s17] =	ssyncset.done $0x0  }
0x13c: {  	[sflag:s17] =	ssyncadd.s32 $0xFFFFFF80  }
0x13d: {  	_ =	swait.ge [sflag:s17], $0x80  }
0x13e: {  	[sflag:s17] =	ssyncset.done $0x0  }
0x13f: {  	[sflag:s17] =	ssyncadd.s32 $0xFFFFFF80  }
0x140: {  	_ =	swait.ge [sflag:s17], $0x80  }
0x141: {  	[sflag:s17] =	ssyncset.done $0x0  }
0x142: {  	[sflag:s17] =	ssyncadd.s32 $0xFFFFFF80  }
0x143: {  	_ =	swait.ge [sflag:s17], $0x80  }
0x144: {  	[sflag:s17] =	ssyncset.done $0x0  }
0x145: {  	[sflag:s17] =	ssyncadd.s32 $0xFFFFFF80  }
0x146: {  	_ =	swait.ge [sflag:s17], $0x80  }
0x147: {  	[sflag:s17] =	ssyncset.done $0x0  }
0x148: {  	[sflag:s17] =	ssyncadd.s32 $0xFFFFFF80  }
0x149: {  	_ =	swait.ge [sflag:s17], $0x80  }
0x14a: {  	[sflag:s17] =	ssyncset.done $0x0  }
0x14b: {  	[sflag:s17] =	ssyncadd.s32 $0xFFFFFF80  }
0x14c: {  	_ =	swait.ge [sflag:s17], $0x80  }
0x14d: {  	[sflag:s17] =	ssyncset.done $0x0  }
0x14e: {  	[sflag:s17] =	ssyncadd.s32 $0xFFFFFF80  }
0x14f: {  	_ =	swait.ge [sflag:s17], $0x80  }
0x150: {  	[sflag:s17] =	ssyncset.done $0x0  }
0x151: {  	[sflag:s17] =	ssyncadd.s32 $0xFFFFFF80  }
0x152: {  	_ =	swait.ge [sflag:s17], $0x80  }
0x153: {  	[sflag:s17] =	ssyncset.done $0x0  }
0x154: {  	[sflag:s17] =	ssyncadd.s32 $0xFFFFFF80  }
0x155: {  	s19 =	sadd.s32 $0x1, s19;
	_ =	swait.ge [sflag:s14], $0xC80  }
0x156: {  	p1 =	sne.s32 s19, s10;
	[sflag:s14] =	ssyncset.done $0x0  }
.Ltmp2:
0x157: {  	[sflag:s14] =	ssyncadd.s32 $0xFFFFF380;
	(pc) =	sbr.rel @p1 .LBB2_1-.Ltmp2, $4  }
0x158: {  	[hbm4b:s9+s2] =	stream.linear.scatter [tilespmem:s18], [sflag:$0x3], $0x400, $0x38;
	[tilespmem:$0x12AA8] =	vst v63  }
0x159: {  	_ =	swait.ge [sflag:s12], $0x400  }
0x15a: {  	[sflag:s12] =	ssyncset.done $0x0  }
0x15b: {  	[sflag:s12] =	ssyncadd.s32 $0xFFFFFC00  }
0x15c: {  	_ =	sfence.sel $0x180000  }
0x15d: {  	[bflag:$0x0] =	sbarrier.arrive $0xFFFF  }
0x15e: {  	_ =	strace $0x90000047  }
0x15f: {  	[bflag:$0x2] =	sbarrier.arrive $0xFFFF  }
0x160: {  	s0 =	rddreg [dreg:$0x3]  }
0x161: {  	s0 =	sadd.s32 @!p0 $0x100000, s0  }
0x162: {  	[sflag:s0] =	ssyncadd.tile.s32 @!p0 $0x1;
	_ =	shalt  }
.Lfunc_end2:
_tile_overlayer_lowered:
.L_overlay_start_2:
0x163: {  	(tag) =	ssettag $0x2  }
0x164: {  	s0 =	rddreg [dreg:$0x0];
	s2 =	stileid.u32  }
0x165: {  	s1 =	rddreg [dreg:$0x1];
	p0 =	sne.s32 s2, $0x0  }
0x166: {  	s3 =	rddreg [dreg:$0x2];
	[bflag:$0x3] =	sbarrier.arrive $0xFFFF;
	s2 =	simm.s32 @!p0 $0x1C03  }
0x167: {  	[timem:s3], [sflag:s2] =	dma.local @!p0 [hbm:s0], s1  }
0x168: {  	s0 =	simm.s32 @!p0 $0x3  }
0x169: {  	_ =	swait.ge @!p0 [sflag:s0], s1  }
0x16a: {  	s1 =	ssub.s32 @!p0 $0x0, s1;
	[sflag:s0] =	ssyncset.done @!p0 $0x0  }
0x16b: {  	[sflag:s0] =	ssyncadd.s32 @!p0 s1  }
0x16c: {  	[bflag:$0x3] =	sbarrier.arrive $0xFFFF  }
0x16d: {  	_ =	shalt  }

</sc_bundles>
